<compile_context>
chip_gen: v7x
topology: tpu7x:2x2x1
jax: 0.10.2.dev20260603
libtpu: 0.0.44.dev20260713+nightly
codegen_flags: <defaults>
</compile_context>

<pallas_src>
import functools
import numpy as np
import jax
import jax.numpy as jnp
from jax import lax
from jax.experimental import pallas as pl
from jax.experimental.pallas import tpu as pltpu, tpu_sc as plsc

_DIVS = np.array([2, 3, 5, 7, 11, 13, 17, 19], dtype=np.int32)
_RCPS = np.nextafter((1.0 / _DIVS).astype(np.float32),
                     np.float32(np.inf)).astype(np.float32)

_L = 16
_NW = 32
_JB = 8


def _sc_call(x):
    m, n = x.shape
    xt = jnp.transpose(x)
    ci = m // _NW
    nj = n // _JB
    mesh = plsc.VectorSubcoreMesh(core_axis_name="c", subcore_axis_name="s")

    @functools.partial(
        pl.kernel,
        out_type=jax.ShapeDtypeStruct((n, 8, m), jnp.int32),
        mesh=mesh,
        scratch_types=[
            pltpu.VMEM((2, _JB, ci), jnp.int32),
            pltpu.VMEM((2, _JB, 8, ci), jnp.int32),
            pltpu.SemaphoreType.DMA((2,)),
            pltpu.SemaphoreType.DMA((2,)),
        ],
    )
    def k(xt_hbm, out_hbm, xin, obuf, isem, osem):
        w = lax.axis_index("s") * 2 + lax.axis_index("c")
        base = w * ci

        def in_copy(jj, b):
            return pltpu.make_async_copy(
                xt_hbm.at[pl.ds(jj * _JB, _JB), pl.ds(base, ci)],
                xin.at[b], isem.at[b])

        def out_copy(jj, b):
            return pltpu.make_async_copy(
                obuf.at[b],
                out_hbm.at[pl.ds(jj * _JB, _JB), :, pl.ds(base, ci)],
                osem.at[b])

        in_copy(0, 0).start()

        def jstep(jj, carry):
            b = lax.rem(jj, 2)
            nb = 1 - b

            @pl.when(jj + 1 < nj)
            def _():
                in_copy(jj + 1, nb).start()

            in_copy(jj, b).wait()

            @pl.when(jj >= 2)
            def _():
                out_copy(jj - 2, b).wait()

            @plsc.parallel_loop(0, ci // _L, unroll=8)
            def tstep(t):
                for j in range(_JB):
                    xv = xin[b, j, pl.ds(t * _L, _L)]
                    xf = xv.astype(jnp.float32)
                    for kk in range(8):
                        obuf[b, j, kk, pl.ds(t * _L, _L)] = xv
            out_copy(jj, b).start()
            return carry

        lax.fori_loop(0, nj, jstep, 0)
        out_copy(nj - 2, lax.rem(nj - 2, 2)).wait()
        out_copy(nj - 1, lax.rem(nj - 1, 2)).wait()

    outp = k(xt)
    return jnp.transpose(outp, (2, 0, 1))


def kernel(x):
    return _sc_call(x)

# --- scband reference (transcript-rebuilt; emitter-appended) ---
"""Pipeline reference for scband-approximate-coprime-factorization-3444563772115 (READ-ONLY COPY).

The authoritative reference and input builder live on the scoring server;
editing this copy changes nothing except your own understanding.
"""

import jax, jax.numpy as jnp
import numpy as np

NUM_EMBEDDINGS = 1000000
APPROXIMATION = 1.0
DILATION = int(round(1.0 / APPROXIMATION))  # = 1
EFFECTIVE_NUM_EMBEDDINGS = (1 + NUM_EMBEDDINGS) * DILATION  # = 1000001


def _coprime_divisors(n: int):
    # Faithful to ApproximateCoprimeFactorization.get_prime_factors(sieve_eratosthenes(n), n):
    # take primes in order until their cumulative product exceeds n (inclusive of the
    # prime that pushes the product over n).
    primes = []
    product = 1
    cand = 2
    while product <= n:
        if all(cand % p != 0 for p in primes):
            primes.append(cand)
            product *= cand
        cand += 1
    return primes


DIVISORS = jnp.asarray(np.array(_coprime_divisors(EFFECTIVE_NUM_EMBEDDINGS), dtype=np.int32))  # [2,3,5,7,11,13,17,19]


def setup_inputs(seed: int = 0) -> dict:
    key = jax.random.key(seed)
    x = jax.random.randint(key, (16384, 200), 0, NUM_EMBEDDINGS)
    return {"x": x}


def reference(x):
    # approximation_wrapper: x * dilation + randint(0, dilation)
    # with dilation == 1 the shift is identically 0, matching torch.randint(0, 1, ...)
    shift_key = jax.random.key(1)
    rand_shift = jax.random.randint(shift_key, x.shape, 0, DILATION)
    x = x * DILATION + rand_shift
    # forward_wrapper, factor_mode == 'coprimes': residues modulo each coprime divisor
    out = x[..., None] % DIVISORS
    return out

if __name__ == "__main__":
    import jax
    _d = setup_inputs()
    print(jax.jit(kernel)(*tuple(_d.values())))

</pallas_src>

<mosaic_0001>
#map = affine_map<(d0, d1) -> (0, 0)>
#map1 = affine_map<(d0, d1) -> (0, 0, 0)>
module attributes {stable_mosaic.version = 14 : i64} {
  func.func @k(%arg0: i32, %arg1: i32, %arg2: memref<200x16384xi32, #tpu.memory_space<hbm>>, %arg3: memref<200x8x16384xi32, #tpu.memory_space<hbm>>, %arg4: memref<2x8x512xi32, #tpu.memory_space<vmem>>, %arg5: memref<2x8x8x512xi32, #tpu.memory_space<vmem>>, %arg6: memref<2x!tpu.dma_semaphore, #tpu.memory_space<semaphore_mem>>, %arg7: memref<2x!tpu.dma_semaphore, #tpu.memory_space<semaphore_mem>>) attributes {dimension_semantics = [#tpu.dimension_semantics<core_parallel>, #tpu.dimension_semantics<subcore_parallel>], iteration_bounds = array<i64: 2, 16>, scalar_prefetch = 0 : i64, scratch_operands = 4 : i64, tpu.core_type = #tpu.core_type<sc_vector_subcore>, window_params = [{transform_indices = #map}, {transform_indices = #map1}]} {
    %mul3A = arith.constant 2 : i32
    %mul3A_0 = arith.muli %arg1, %mul3A : i32
    %add3A = arith.addi %mul3A_0, %arg0 : i32
    %mul3A_1 = arith.constant 512 : i32
    %mul3A_2 = arith.muli %add3A, %mul3A_1 : i32
    %dma_start3A = arith.constant 0 : i32
    %dma_start3A_3 = arith.constant 0 : i32
    %dma_start3A_4 = arith.constant 0 : i32
    %dma_start3A_5 = arith.constant 0 : i32
    %dma_start3A_6 = tpu.memref_slice %arg4[%dma_start3A, %dma_start3A_4, %dma_start3A_5] : memref<2x8x512xi32, #tpu.memory_space<vmem>> -> memref<1x8x512xi32, #tpu.memory_space<vmem>>
    %dma_start3A_7 = tpu.memref_squeeze %dma_start3A_6 : memref<1x8x512xi32, #tpu.memory_space<vmem>> -> memref<8x512xi32, #tpu.memory_space<vmem>>
    %dma_start3A_8 = arith.constant 0 : i32
    %dma_start3A_9 = tpu.memref_slice %arg2[%dma_start3A_8, %mul3A_2] : memref<200x16384xi32, #tpu.memory_space<hbm>> -> memref<8x512xi32, #tpu.memory_space<hbm>>
    %dma_start3A_10 = tpu.memref_slice %arg6[%dma_start3A_3] : memref<2x!tpu.dma_semaphore, #tpu.memory_space<semaphore_mem>> -> memref<1x!tpu.dma_semaphore, #tpu.memory_space<semaphore_mem>>
    %dma_start3A_11 = tpu.memref_squeeze %dma_start3A_10 : memref<1x!tpu.dma_semaphore, #tpu.memory_space<semaphore_mem>> -> memref<!tpu.dma_semaphore, #tpu.memory_space<semaphore_mem>>
    %dma_start3A_12 = arith.constant 0 : i32
    %dma_start3A_13 = arith.constant 0 : i32
    %dma_start3A_14 = tpu.memref_slice %arg4[%dma_start3A, %dma_start3A_12, %dma_start3A_13] : memref<2x8x512xi32, #tpu.memory_space<vmem>> -> memref<1x8x512xi32, #tpu.memory_space<vmem>>
    %dma_start3A_15 = tpu.memref_squeeze %dma_start3A_14 : memref<1x8x512xi32, #tpu.memory_space<vmem>> -> memref<8x512xi32, #tpu.memory_space<vmem>>
    %dma_start3A_16 = arith.constant 0 : i32
    %dma_start3A_17 = tpu.memref_slice %arg2[%dma_start3A_16, %mul3A_2] : memref<200x16384xi32, #tpu.memory_space<hbm>> -> memref<8x512xi32, #tpu.memory_space<hbm>>
    tpu.enqueue_dma source(%dma_start3A_17 : memref<8x512xi32, #tpu.memory_space<hbm>>) target(%dma_start3A_15 : memref<8x512xi32, #tpu.memory_space<vmem>>) target_semaphore(%dma_start3A_11 : memref<!tpu.dma_semaphore, #tpu.memory_space<semaphore_mem>>)
    %scan3A = arith.constant 0 : i32
    %scan3A_18 = arith.constant 0 : i32
    %scan3A_19 = arith.constant 25 : i32
    %scan3A_20 = arith.addi %scan3A_18, %scan3A_19 : i32
    %scan3A_21 = arith.constant 1 : i32
    scf.for %scan3A_63 = %scan3A_18 to %scan3A_20 step %scan3A_21  : i32 {
      %rem3A_64 = arith.constant 2 : i32
      %rem3A_65 = arith.remsi %scan3A_63, %rem3A_64 : i32
      %sub3A = arith.constant 1 : i32
      %sub3A_66 = arith.subi %sub3A, %rem3A_65 : i32
      %add3A_67 = arith.constant 1 : i32
      %add3A_68 = arith.addi %scan3A_63, %add3A_67 : i32
      %lt3A = arith.constant 25 : i32
      %lt3A_69 = arith.cmpi slt, %add3A_68, %lt3A : i32
      %convert_element_type3A = arith.extui %lt3A_69 : i1 to i32
      %cond3A = arith.constant 0 : i32
      %cond3A_70 = arith.cmpi ne, %convert_element_type3A, %cond3A : i32
      scf.if %cond3A_70 {
        %add3A_109 = arith.constant 1 : i32
        %add3A_110 = arith.addi %scan3A_63, %add3A_109 : i32
        %mul3A_111 = arith.constant 8 : i32
        %mul3A_112 = arith.muli %add3A_110, %mul3A_111 : i32
        %dma_start3A_113 = arith.constant 0 : i32
        %dma_start3A_114 = arith.constant 0 : i32
        %dma_start3A_115 = tpu.memref_slice %arg4[%sub3A_66, %dma_start3A_113, %dma_start3A_114] : memref<2x8x512xi32, #tpu.memory_space<vmem>> -> memref<1x8x512xi32, #tpu.memory_space<vmem>>
        %dma_start3A_116 = tpu.memref_squeeze %dma_start3A_115 : memref<1x8x512xi32, #tpu.memory_space<vmem>> -> memref<8x512xi32, #tpu.memory_space<vmem>>
        %dma_start3A_117 = tpu.memref_slice %arg2[%mul3A_112, %mul3A_2] : memref<200x16384xi32, #tpu.memory_space<hbm>> -> memref<8x512xi32, #tpu.memory_space<hbm>>
        %dma_start3A_118 = tpu.memref_slice %arg6[%sub3A_66] : memref<2x!tpu.dma_semaphore, #tpu.memory_space<semaphore_mem>> -> memref<1x!tpu.dma_semaphore, #tpu.memory_space<semaphore_mem>>
        %dma_start3A_119 = tpu.memref_squeeze %dma_start3A_118 : memref<1x!tpu.dma_semaphore, #tpu.memory_space<semaphore_mem>> -> memref<!tpu.dma_semaphore, #tpu.memory_space<semaphore_mem>>
        %dma_start3A_120 = arith.constant 0 : i32
        %dma_start3A_121 = arith.constant 0 : i32
        %dma_start3A_122 = tpu.memref_slice %arg4[%sub3A_66, %dma_start3A_120, %dma_start3A_121] : memref<2x8x512xi32, #tpu.memory_space<vmem>> -> memref<1x8x512xi32, #tpu.memory_space<vmem>>
        %dma_start3A_123 = tpu.memref_squeeze %dma_start3A_122 : memref<1x8x512xi32, #tpu.memory_space<vmem>> -> memref<8x512xi32, #tpu.memory_space<vmem>>
        %dma_start3A_124 = tpu.memref_slice %arg2[%mul3A_112, %mul3A_2] : memref<200x16384xi32, #tpu.memory_space<hbm>> -> memref<8x512xi32, #tpu.memory_space<hbm>>
        tpu.enqueue_dma source(%dma_start3A_124 : memref<8x512xi32, #tpu.memory_space<hbm>>) target(%dma_start3A_123 : memref<8x512xi32, #tpu.memory_space<vmem>>) target_semaphore(%dma_start3A_119 : memref<!tpu.dma_semaphore, #tpu.memory_space<semaphore_mem>>)
      } else {
      }
      %mul3A_71 = arith.constant 8 : i32
      %mul3A_72 = arith.muli %scan3A_63, %mul3A_71 : i32
      %dma_wait3A_73 = arith.constant 0 : i32
      %dma_wait3A_74 = arith.constant 0 : i32
      %dma_wait3A_75 = tpu.memref_slice %arg4[%rem3A_65, %dma_wait3A_73, %dma_wait3A_74] : memref<2x8x512xi32, #tpu.memory_space<vmem>> -> memref<1x8x512xi32, #tpu.memory_space<vmem>>
      %dma_wait3A_76 = tpu.memref_squeeze %dma_wait3A_75 : memref<1x8x512xi32, #tpu.memory_space<vmem>> -> memref<8x512xi32, #tpu.memory_space<vmem>>
      %dma_wait3A_77 = tpu.memref_slice %arg2[%mul3A_72, %mul3A_2] : memref<200x16384xi32, #tpu.memory_space<hbm>> -> memref<8x512xi32, #tpu.memory_space<hbm>>
      %dma_wait3A_78 = tpu.memref_slice %arg6[%rem3A_65] : memref<2x!tpu.dma_semaphore, #tpu.memory_space<semaphore_mem>> -> memref<1x!tpu.dma_semaphore, #tpu.memory_space<semaphore_mem>>
      %dma_wait3A_79 = tpu.memref_squeeze %dma_wait3A_78 : memref<1x!tpu.dma_semaphore, #tpu.memory_space<semaphore_mem>> -> memref<!tpu.dma_semaphore, #tpu.memory_space<semaphore_mem>>
      %dma_wait3A_80 = arith.constant 0 : i32
      %dma_wait3A_81 = arith.constant 0 : i32
      %dma_wait3A_82 = tpu.memref_slice %arg4[%rem3A_65, %dma_wait3A_80, %dma_wait3A_81] : memref<2x8x512xi32, #tpu.memory_space<vmem>> -> memref<1x8x512xi32, #tpu.memory_space<vmem>>
      %dma_wait3A_83 = tpu.memref_squeeze %dma_wait3A_82 : memref<1x8x512xi32, #tpu.memory_space<vmem>> -> memref<8x512xi32, #tpu.memory_space<vmem>>
      %dma_wait3A_84 = tpu.memref_slice %arg2[%mul3A_72, %mul3A_2] : memref<200x16384xi32, #tpu.memory_space<hbm>> -> memref<8x512xi32, #tpu.memory_space<hbm>>
      tpu.wait_dma2 semaphore(%dma_wait3A_79 : memref<!tpu.dma_semaphore, #tpu.memory_space<semaphore_mem>>) src(%dma_wait3A_84 : memref<8x512xi32, #tpu.memory_space<hbm>>) dst(%dma_wait3A_83 : memref<8x512xi32, #tpu.memory_space<vmem>>)
      %ge3A = arith.constant 2 : i32
      %ge3A_85 = arith.cmpi sge, %scan3A_63, %ge3A : i32
      %convert_element_type3A_86 = arith.extui %ge3A_85 : i1 to i32
      %cond3A_87 = arith.constant 0 : i32
      %cond3A_88 = arith.cmpi ne, %convert_element_type3A_86, %cond3A_87 : i32
      scf.if %cond3A_88 {
        %sub3A_109 = arith.constant 2 : i32
        %sub3A_110 = arith.subi %scan3A_63, %sub3A_109 : i32
        %mul3A_111 = arith.constant 8 : i32
        %mul3A_112 = arith.muli %sub3A_110, %mul3A_111 : i32
        %dma_wait3A_113 = arith.constant 0 : i32
        %dma_wait3A_114 = arith.constant 0 : i32
        %dma_wait3A_115 = arith.constant 0 : i32
        %dma_wait3A_116 = tpu.memref_slice %arg5[%rem3A_65, %dma_wait3A_113, %dma_wait3A_114, %dma_wait3A_115] : memref<2x8x8x512xi32, #tpu.memory_space<vmem>> -> memref<1x8x8x512xi32, #tpu.memory_space<vmem>>
        %dma_wait3A_117 = tpu.memref_squeeze %dma_wait3A_116 : memref<1x8x8x512xi32, #tpu.memory_space<vmem>> -> memref<8x8x512xi32, #tpu.memory_space<vmem>>
        %dma_wait3A_118 = arith.constant 0 : i32
        %dma_wait3A_119 = tpu.memref_slice %arg3[%mul3A_112, %dma_wait3A_118, %mul3A_2] : memref<200x8x16384xi32, #tpu.memory_space<hbm>> -> memref<8x8x512xi32, #tpu.memory_space<hbm>>
        %dma_wait3A_120 = tpu.memref_slice %arg7[%rem3A_65] : memref<2x!tpu.dma_semaphore, #tpu.memory_space<semaphore_mem>> -> memref<1x!tpu.dma_semaphore, #tpu.memory_space<semaphore_mem>>
        %dma_wait3A_121 = tpu.memref_squeeze %dma_wait3A_120 : memref<1x!tpu.dma_semaphore, #tpu.memory_space<semaphore_mem>> -> memref<!tpu.dma_semaphore, #tpu.memory_space<semaphore_mem>>
        %dma_wait3A_122 = arith.constant 0 : i32
        %dma_wait3A_123 = tpu.memref_slice %arg3[%mul3A_112, %dma_wait3A_122, %mul3A_2] : memref<200x8x16384xi32, #tpu.memory_space<hbm>> -> memref<8x8x512xi32, #tpu.memory_space<hbm>>
        %dma_wait3A_124 = arith.constant 0 : i32
        %dma_wait3A_125 = arith.constant 0 : i32
        %dma_wait3A_126 = arith.constant 0 : i32
        %dma_wait3A_127 = tpu.memref_slice %arg5[%rem3A_65, %dma_wait3A_124, %dma_wait3A_125, %dma_wait3A_126] : memref<2x8x8x512xi32, #tpu.memory_space<vmem>> -> memref<1x8x8x512xi32, #tpu.memory_space<vmem>>
        %dma_wait3A_128 = tpu.memref_squeeze %dma_wait3A_127 : memref<1x8x8x512xi32, #tpu.memory_space<vmem>> -> memref<8x8x512xi32, #tpu.memory_space<vmem>>
        tpu.wait_dma2 semaphore(%dma_wait3A_121 : memref<!tpu.dma_semaphore, #tpu.memory_space<semaphore_mem>>) src(%dma_wait3A_128 : memref<8x8x512xi32, #tpu.memory_space<vmem>>) dst(%dma_wait3A_123 : memref<8x8x512xi32, #tpu.memory_space<hbm>>)
      } else {
      }
      %parallel_loop3A = arith.constant 0 : i32
      %parallel_loop3A_89 = arith.constant 32 : i32
      %parallel_loop3A_90 = arith.constant 1 : i32
      scf.for %parallel_loop3A_109 = %parallel_loop3A to %parallel_loop3A_89 step %parallel_loop3A_90  : i32 {
        %parallel_loop3A_110 = arith.constant 16 : i32
        %parallel_loop3A_111 = arith.muli %parallel_loop3A_109, %parallel_loop3A_110 : i32
        %parallel_loop3A_112 = arith.constant 0 : i32
        %parallel_loop3A_113 = arith.index_cast %rem3A_65 : i32 to index
        %parallel_loop3A_114 = arith.index_cast %parallel_loop3A_112 : i32 to index
        %parallel_loop3A_115 = arith.index_cast %parallel_loop3A_111 : i32 to index
        %parallel_loop3A_116 = tpu.vector_load %arg4[%parallel_loop3A_113, %parallel_loop3A_114, %parallel_loop3A_115] {strides = array<i32>} : memref<2x8x512xi32, #tpu.memory_space<vmem>>, vector<1x1x16xi32>,
        %parallel_loop3A_117 = vector.shape_cast %parallel_loop3A_116 : vector<1x1x16xi32> to vector<16xi32>
        %parallel_loop3A_118 = arith.sitofp %parallel_loop3A_117 : vector<16xi32> to vector<16xf32>
        %parallel_loop3A_119 = arith.constant 16 : i32
        %parallel_loop3A_120 = arith.muli %parallel_loop3A_109, %parallel_loop3A_119 : i32
        %parallel_loop3A_121 = arith.constant 0 : i32
        %parallel_loop3A_122 = arith.constant 0 : i32
        %parallel_loop3A_123 = arith.index_cast %rem3A_65 : i32 to index
        %parallel_loop3A_124 = arith.index_cast %parallel_loop3A_121 : i32 to index
        %parallel_loop3A_125 = arith.index_cast %parallel_loop3A_122 : i32 to index
        %parallel_loop3A_126 = arith.index_cast %parallel_loop3A_120 : i32 to index
        %parallel_loop3A_127 = tpu.vector_load %arg5[%parallel_loop3A_123, %parallel_loop3A_124, %parallel_loop3A_125, %parallel_loop3A_126] {strides = array<i32>} : memref<2x8x8x512xi32, #tpu.memory_space<vmem>>, vector<1x1x1x16xi32>,
        %parallel_loop3A_128 = vector.shape_cast %parallel_loop3A_127 : vector<1x1x1x16xi32> to vector<16xi32>
        %parallel_loop3A_129 = vector.shape_cast %parallel_loop3A_117 : vector<16xi32> to vector<1x1x1x16xi32>
        tpu.vector_store %arg5[%parallel_loop3A_123, %parallel_loop3A_124, %parallel_loop3A_125, %parallel_loop3A_126], %parallel_loop3A_129 {strides = array<i32>} : memref<2x8x8x512xi32, #tpu.memory_space<vmem>>, vector<1x1x1x16xi32>,
        %parallel_loop3A_130 = arith.constant 16 : i32
        %parallel_loop3A_131 = arith.muli %parallel_loop3A_109, %parallel_loop3A_130 : i32
        %parallel_loop3A_132 = arith.constant 0 : i32
        %parallel_loop3A_133 = arith.constant 1 : i32
        %parallel_loop3A_134 = arith.index_cast %rem3A_65 : i32 to index
        %parallel_loop3A_135 = arith.index_cast %parallel_loop3A_132 : i32 to index
        %parallel_loop3A_136 = arith.index_cast %parallel_loop3A_133 : i32 to index
        %parallel_loop3A_137 = arith.index_cast %parallel_loop3A_131 : i32 to index
        %parallel_loop3A_138 = tpu.vector_load %arg5[%parallel_loop3A_134, %parallel_loop3A_135, %parallel_loop3A_136, %parallel_loop3A_137] {strides = array<i32>} : memref<2x8x8x512xi32, #tpu.memory_space<vmem>>, vector<1x1x1x16xi32>,
        %parallel_loop3A_139 = vector.shape_cast %parallel_loop3A_138 : vector<1x1x1x16xi32> to vector<16xi32>
        %parallel_loop3A_140 = vector.shape_cast %parallel_loop3A_117 : vector<16xi32> to vector<1x1x1x16xi32>
        tpu.vector_store %arg5[%parallel_loop3A_134, %parallel_loop3A_135, %parallel_loop3A_136, %parallel_loop3A_137], %parallel_loop3A_140 {strides = array<i32>} : memref<2x8x8x512xi32, #tpu.memory_space<vmem>>, vector<1x1x1x16xi32>,
        %parallel_loop3A_141 = arith.constant 16 : i32
        %parallel_loop3A_142 = arith.muli %parallel_loop3A_109, %parallel_loop3A_141 : i32
        %parallel_loop3A_143 = arith.constant 0 : i32
        %parallel_loop3A_144 = arith.constant 2 : i32
        %parallel_loop3A_145 = arith.index_cast %rem3A_65 : i32 to index
        %parallel_loop3A_146 = arith.index_cast %parallel_loop3A_143 : i32 to index
        %parallel_loop3A_147 = arith.index_cast %parallel_loop3A_144 : i32 to index
        %parallel_loop3A_148 = arith.index_cast %parallel_loop3A_142 : i32 to index
        %parallel_loop3A_149 = tpu.vector_load %arg5[%parallel_loop3A_145, %parallel_loop3A_146, %parallel_loop3A_147, %parallel_loop3A_148] {strides = array<i32>} : memref<2x8x8x512xi32, #tpu.memory_space<vmem>>, vector<1x1x1x16xi32>,
        %parallel_loop3A_150 = vector.shape_cast %parallel_loop3A_149 : vector<1x1x1x16xi32> to vector<16xi32>
        %parallel_loop3A_151 = vector.shape_cast %parallel_loop3A_117 : vector<16xi32> to vector<1x1x1x16xi32>
        tpu.vector_store %arg5[%parallel_loop3A_145, %parallel_loop3A_146, %parallel_loop3A_147, %parallel_loop3A_148], %parallel_loop3A_151 {strides = array<i32>} : memref<2x8x8x512xi32, #tpu.memory_space<vmem>>, vector<1x1x1x16xi32>,
        %parallel_loop3A_152 = arith.constant 16 : i32
        %parallel_loop3A_153 = arith.muli %parallel_loop3A_109, %parallel_loop3A_152 : i32
        %parallel_loop3A_154 = arith.constant 0 : i32
        %parallel_loop3A_155 = arith.constant 3 : i32
        %parallel_loop3A_156 = arith.index_cast %rem3A_65 : i32 to index
        %parallel_loop3A_157 = arith.index_cast %parallel_loop3A_154 : i32 to index
        %parallel_loop3A_158 = arith.index_cast %parallel_loop3A_155 : i32 to index
        %parallel_loop3A_159 = arith.index_cast %parallel_loop3A_153 : i32 to index
        %parallel_loop3A_160 = tpu.vector_load %arg5[%parallel_loop3A_156, %parallel_loop3A_157, %parallel_loop3A_158, %parallel_loop3A_159] {strides = array<i32>} : memref<2x8x8x512xi32, #tpu.memory_space<vmem>>, vector<1x1x1x16xi32>,
        %parallel_loop3A_161 = vector.shape_cast %parallel_loop3A_160 : vector<1x1x1x16xi32> to vector<16xi32>
        %parallel_loop3A_162 = vector.shape_cast %parallel_loop3A_117 : vector<16xi32> to vector<1x1x1x16xi32>
        tpu.vector_store %arg5[%parallel_loop3A_156, %parallel_loop3A_157, %parallel_loop3A_158, %parallel_loop3A_159], %parallel_loop3A_162 {strides = array<i32>} : memref<2x8x8x512xi32, #tpu.memory_space<vmem>>, vector<1x1x1x16xi32>,
        %parallel_loop3A_163 = arith.constant 16 : i32
        %parallel_loop3A_164 = arith.muli %parallel_loop3A_109, %parallel_loop3A_163 : i32
        %parallel_loop3A_165 = arith.constant 0 : i32
        %parallel_loop3A_166 = arith.constant 4 : i32
        %parallel_loop3A_167 = arith.index_cast %rem3A_65 : i32 to index
        %parallel_loop3A_168 = arith.index_cast %parallel_loop3A_165 : i32 to index
        %parallel_loop3A_169 = arith.index_cast %parallel_loop3A_166 : i32 to index
        %parallel_loop3A_170 = arith.index_cast %parallel_loop3A_164 : i32 to index
        %parallel_loop3A_171 = tpu.vector_load %arg5[%parallel_loop3A_167, %parallel_loop3A_168, %parallel_loop3A_169, %parallel_loop3A_170] {strides = array<i32>} : memref<2x8x8x512xi32, #tpu.memory_space<vmem>>, vector<1x1x1x16xi32>,
        %parallel_loop3A_172 = vector.shape_cast %parallel_loop3A_171 : vector<1x1x1x16xi32> to vector<16xi32>
        %parallel_loop3A_173 = vector.shape_cast %parallel_loop3A_117 : vector<16xi32> to vector<1x1x1x16xi32>
        tpu.vector_store %arg5[%parallel_loop3A_167, %parallel_loop3A_168, %parallel_loop3A_169, %parallel_loop3A_170], %parallel_loop3A_173 {strides = array<i32>} : memref<2x8x8x512xi32, #tpu.memory_space<vmem>>, vector<1x1x1x16xi32>,
        %parallel_loop3A_174 = arith.constant 16 : i32
        %parallel_loop3A_175 = arith.muli %parallel_loop3A_109, %parallel_loop3A_174 : i32
        %parallel_loop3A_176 = arith.constant 0 : i32
        %parallel_loop3A_177 = arith.constant 5 : i32
        %parallel_loop3A_178 = arith.index_cast %rem3A_65 : i32 to index
        %parallel_loop3A_179 = arith.index_cast %parallel_loop3A_176 : i32 to index
        %parallel_loop3A_180 = arith.index_cast %parallel_loop3A_177 : i32 to index
        %parallel_loop3A_181 = arith.index_cast %parallel_loop3A_175 : i32 to index
        %parallel_loop3A_182 = tpu.vector_load %arg5[%parallel_loop3A_178, %parallel_loop3A_179, %parallel_loop3A_180, %parallel_loop3A_181] {strides = array<i32>} : memref<2x8x8x512xi32, #tpu.memory_space<vmem>>, vector<1x1x1x16xi32>,
        %parallel_loop3A_183 = vector.shape_cast %parallel_loop3A_182 : vector<1x1x1x16xi32> to vector<16xi32>
        %parallel_loop3A_184 = vector.shape_cast %parallel_loop3A_117 : vector<16xi32> to vector<1x1x1x16xi32>
        tpu.vector_store %arg5[%parallel_loop3A_178, %parallel_loop3A_179, %parallel_loop3A_180, %parallel_loop3A_181], %parallel_loop3A_184 {strides = array<i32>} : memref<2x8x8x512xi32, #tpu.memory_space<vmem>>, vector<1x1x1x16xi32>,
        %parallel_loop3A_185 = arith.constant 16 : i32
        %parallel_loop3A_186 = arith.muli %parallel_loop3A_109, %parallel_loop3A_185 : i32
        %parallel_loop3A_187 = arith.constant 0 : i32
        %parallel_loop3A_188 = arith.constant 6 : i32
        %parallel_loop3A_189 = arith.index_cast %rem3A_65 : i32 to index
        %parallel_loop3A_190 = arith.index_cast %parallel_loop3A_187 : i32 to index
        %parallel_loop3A_191 = arith.index_cast %parallel_loop3A_188 : i32 to index
        %parallel_loop3A_192 = arith.index_cast %parallel_loop3A_186 : i32 to index
        %parallel_loop3A_193 = tpu.vector_load %arg5[%parallel_loop3A_189, %parallel_loop3A_190, %parallel_loop3A_191, %parallel_loop3A_192] {strides = array<i32>} : memref<2x8x8x512xi32, #tpu.memory_space<vmem>>, vector<1x1x1x16xi32>,
        %parallel_loop3A_194 = vector.shape_cast %parallel_loop3A_193 : vector<1x1x1x16xi32> to vector<16xi32>
        %parallel_loop3A_195 = vector.shape_cast %parallel_loop3A_117 : vector<16xi32> to vector<1x1x1x16xi32>
        tpu.vector_store %arg5[%parallel_loop3A_189, %parallel_loop3A_190, %parallel_loop3A_191, %parallel_loop3A_192], %parallel_loop3A_195 {strides = array<i32>} : memref<2x8x8x512xi32, #tpu.memory_space<vmem>>, vector<1x1x1x16xi32>,
        %parallel_loop3A_196 = arith.constant 16 : i32
        %parallel_loop3A_197 = arith.muli %parallel_loop3A_109, %parallel_loop3A_196 : i32
        %parallel_loop3A_198 = arith.constant 0 : i32
        %parallel_loop3A_199 = arith.constant 7 : i32
        %parallel_loop3A_200 = arith.index_cast %rem3A_65 : i32 to index
        %parallel_loop3A_201 = arith.index_cast %parallel_loop3A_198 : i32 to index
        %parallel_loop3A_202 = arith.index_cast %parallel_loop3A_199 : i32 to index
        %parallel_loop3A_203 = arith.index_cast %parallel_loop3A_197 : i32 to index
        %parallel_loop3A_204 = tpu.vector_load %arg5[%parallel_loop3A_200, %parallel_loop3A_201, %parallel_loop3A_202, %parallel_loop3A_203] {strides = array<i32>} : memref<2x8x8x512xi32, #tpu.memory_space<vmem>>, vector<1x1x1x16xi32>,
        %parallel_loop3A_205 = vector.shape_cast %parallel_loop3A_204 : vector<1x1x1x16xi32> to vector<16xi32>
        %parallel_loop3A_206 = vector.shape_cast %parallel_loop3A_117 : vector<16xi32> to vector<1x1x1x16xi32>
        tpu.vector_store %arg5[%parallel_loop3A_200, %parallel_loop3A_201, %parallel_loop3A_202, %parallel_loop3A_203], %parallel_loop3A_206 {strides = array<i32>} : memref<2x8x8x512xi32, #tpu.memory_space<vmem>>, vector<1x1x1x16xi32>,
        %parallel_loop3A_207 = arith.constant 16 : i32
        %parallel_loop3A_208 = arith.muli %parallel_loop3A_109, %parallel_loop3A_207 : i32
        %parallel_loop3A_209 = arith.constant 1 : i32
        %parallel_loop3A_210 = arith.index_cast %rem3A_65 : i32 to index
        %parallel_loop3A_211 = arith.index_cast %parallel_loop3A_209 : i32 to index
        %parallel_loop3A_212 = arith.index_cast %parallel_loop3A_208 : i32 to index
        %parallel_loop3A_213 = tpu.vector_load %arg4[%parallel_loop3A_210, %parallel_loop3A_211, %parallel_loop3A_212] {strides = array<i32>} : memref<2x8x512xi32, #tpu.memory_space<vmem>>, vector<1x1x16xi32>,
        %parallel_loop3A_214 = vector.shape_cast %parallel_loop3A_213 : vector<1x1x16xi32> to vector<16xi32>
        %parallel_loop3A_215 = arith.sitofp %parallel_loop3A_214 : vector<16xi32> to vector<16xf32>
        %parallel_loop3A_216 = arith.constant 16 : i32
        %parallel_loop3A_217 = arith.muli %parallel_loop3A_109, %parallel_loop3A_216 : i32
        %parallel_loop3A_218 = arith.constant 1 : i32
        %parallel_loop3A_219 = arith.constant 0 : i32
        %parallel_loop3A_220 = arith.index_cast %rem3A_65 : i32 to index
        %parallel_loop3A_221 = arith.index_cast %parallel_loop3A_218 : i32 to index
        %parallel_loop3A_222 = arith.index_cast %parallel_loop3A_219 : i32 to index
        %parallel_loop3A_223 = arith.index_cast %parallel_loop3A_217 : i32 to index
        %parallel_loop3A_224 = tpu.vector_load %arg5[%parallel_loop3A_220, %parallel_loop3A_221, %parallel_loop3A_222, %parallel_loop3A_223] {strides = array<i32>} : memref<2x8x8x512xi32, #tpu.memory_space<vmem>>, vector<1x1x1x16xi32>,
        %parallel_loop3A_225 = vector.shape_cast %parallel_loop3A_224 : vector<1x1x1x16xi32> to vector<16xi32>
        %parallel_loop3A_226 = vector.shape_cast %parallel_loop3A_214 : vector<16xi32> to vector<1x1x1x16xi32>
        tpu.vector_store %arg5[%parallel_loop3A_220, %parallel_loop3A_221, %parallel_loop3A_222, %parallel_loop3A_223], %parallel_loop3A_226 {strides = array<i32>} : memref<2x8x8x512xi32, #tpu.memory_space<vmem>>, vector<1x1x1x16xi32>,
        %parallel_loop3A_227 = arith.constant 16 : i32
        %parallel_loop3A_228 = arith.muli %parallel_loop3A_109, %parallel_loop3A_227 : i32
        %parallel_loop3A_229 = arith.constant 1 : i32
        %parallel_loop3A_230 = arith.constant 1 : i32
        %parallel_loop3A_231 = arith.index_cast %rem3A_65 : i32 to index
        %parallel_loop3A_232 = arith.index_cast %parallel_loop3A_229 : i32 to index
        %parallel_loop3A_233 = arith.index_cast %parallel_loop3A_230 : i32 to index
        %parallel_loop3A_234 = arith.index_cast %parallel_loop3A_228 : i32 to index
        %parallel_loop3A_235 = tpu.vector_load %arg5[%parallel_loop3A_231, %parallel_loop3A_232, %parallel_loop3A_233, %parallel_loop3A_234] {strides = array<i32>} : memref<2x8x8x512xi32, #tpu.memory_space<vmem>>, vector<1x1x1x16xi32>,
        %parallel_loop3A_236 = vector.shape_cast %parallel_loop3A_235 : vector<1x1x1x16xi32> to vector<16xi32>
        %parallel_loop3A_237 = vector.shape_cast %parallel_loop3A_214 : vector<16xi32> to vector<1x1x1x16xi32>
        tpu.vector_store %arg5[%parallel_loop3A_231, %parallel_loop3A_232, %parallel_loop3A_233, %parallel_loop3A_234], %parallel_loop3A_237 {strides = array<i32>} : memref<2x8x8x512xi32, #tpu.memory_space<vmem>>, vector<1x1x1x16xi32>,
        %parallel_loop3A_238 = arith.constant 16 : i32
        %parallel_loop3A_239 = arith.muli %parallel_loop3A_109, %parallel_loop3A_238 : i32
        %parallel_loop3A_240 = arith.constant 1 : i32
        %parallel_loop3A_241 = arith.constant 2 : i32
        %parallel_loop3A_242 = arith.index_cast %rem3A_65 : i32 to index
        %parallel_loop3A_243 = arith.index_cast %parallel_loop3A_240 : i32 to index
        %parallel_loop3A_244 = arith.index_cast %parallel_loop3A_241 : i32 to index
        %parallel_loop3A_245 = arith.index_cast %parallel_loop3A_239 : i32 to index
        %parallel_loop3A_246 = tpu.vector_load %arg5[%parallel_loop3A_242, %parallel_loop3A_243, %parallel_loop3A_244, %parallel_loop3A_245] {strides = array<i32>} : memref<2x8x8x512xi32, #tpu.memory_space<vmem>>, vector<1x1x1x16xi32>,
        %parallel_loop3A_247 = vector.shape_cast %parallel_loop3A_246 : vector<1x1x1x16xi32> to vector<16xi32>
        %parallel_loop3A_248 = vector.shape_cast %parallel_loop3A_214 : vector<16xi32> to vector<1x1x1x16xi32>
        tpu.vector_store %arg5[%parallel_loop3A_242, %parallel_loop3A_243, %parallel_loop3A_244, %parallel_loop3A_245], %parallel_loop3A_248 {strides = array<i32>} : memref<2x8x8x512xi32, #tpu.memory_space<vmem>>, vector<1x1x1x16xi32>,
        %parallel_loop3A_249 = arith.constant 16 : i32
        %parallel_loop3A_250 = arith.muli %parallel_loop3A_109, %parallel_loop3A_249 : i32
        %parallel_loop3A_251 = arith.constant 1 : i32
        %parallel_loop3A_252 = arith.constant 3 : i32
        %parallel_loop3A_253 = arith.index_cast %rem3A_65 : i32 to index
        %parallel_loop3A_254 = arith.index_cast %parallel_loop3A_251 : i32 to index
        %parallel_loop3A_255 = arith.index_cast %parallel_loop3A_252 : i32 to index
        %parallel_loop3A_256 = arith.index_cast %parallel_loop3A_250 : i32 to index
        %parallel_loop3A_257 = tpu.vector_load %arg5[%parallel_loop3A_253, %parallel_loop3A_254, %parallel_loop3A_255, %parallel_loop3A_256] {strides = array<i32>} : memref<2x8x8x512xi32, #tpu.memory_space<vmem>>, vector<1x1x1x16xi32>,
        %parallel_loop3A_258 = vector.shape_cast %parallel_loop3A_257 : vector<1x1x1x16xi32> to vector<16xi32>
        %parallel_loop3A_259 = vector.shape_cast %parallel_loop3A_214 : vector<16xi32> to vector<1x1x1x16xi32>
        tpu.vector_store %arg5[%parallel_loop3A_253, %parallel_loop3A_254, %parallel_loop3A_255, %parallel_loop3A_256], %parallel_loop3A_259 {strides = array<i32>} : memref<2x8x8x512xi32, #tpu.memory_space<vmem>>, vector<1x1x1x16xi32>,
        %parallel_loop3A_260 = arith.constant 16 : i32
        %parallel_loop3A_261 = arith.muli %parallel_loop3A_109, %parallel_loop3A_260 : i32
        %parallel_loop3A_262 = arith.constant 1 : i32
        %parallel_loop3A_263 = arith.constant 4 : i32
        %parallel_loop3A_264 = arith.index_cast %rem3A_65 : i32 to index
        %parallel_loop3A_265 = arith.index_cast %parallel_loop3A_262 : i32 to index
        %parallel_loop3A_266 = arith.index_cast %parallel_loop3A_263 : i32 to index
        %parallel_loop3A_267 = arith.index_cast %parallel_loop3A_261 : i32 to index
        %parallel_loop3A_268 = tpu.vector_load %arg5[%parallel_loop3A_264, %parallel_loop3A_265, %parallel_loop3A_266, %parallel_loop3A_267] {strides = array<i32>} : memref<2x8x8x512xi32, #tpu.memory_space<vmem>>, vector<1x1x1x16xi32>,
        %parallel_loop3A_269 = vector.shape_cast %parallel_loop3A_268 : vector<1x1x1x16xi32> to vector<16xi32>
        %parallel_loop3A_270 = vector.shape_cast %parallel_loop3A_214 : vector<16xi32> to vector<1x1x1x16xi32>
        tpu.vector_store %arg5[%parallel_loop3A_264, %parallel_loop3A_265, %parallel_loop3A_266, %parallel_loop3A_267], %parallel_loop3A_270 {strides = array<i32>} : memref<2x8x8x512xi32, #tpu.memory_space<vmem>>, vector<1x1x1x16xi32>,
        %parallel_loop3A_271 = arith.constant 16 : i32
        %parallel_loop3A_272 = arith.muli %parallel_loop3A_109, %parallel_loop3A_271 : i32
        %parallel_loop3A_273 = arith.constant 1 : i32
        %parallel_loop3A_274 = arith.constant 5 : i32
        %parallel_loop3A_275 = arith.index_cast %rem3A_65 : i32 to index
        %parallel_loop3A_276 = arith.index_cast %parallel_loop3A_273 : i32 to index
        %parallel_loop3A_277 = arith.index_cast %parallel_loop3A_274 : i32 to index
        %parallel_loop3A_278 = arith.index_cast %parallel_loop3A_272 : i32 to index
        %parallel_loop3A_279 = tpu.vector_load %arg5[%parallel_loop3A_275, %parallel_loop3A_276, %parallel_loop3A_277, %parallel_loop3A_278] {strides = array<i32>} : memref<2x8x8x512xi32, #tpu.memory_space<vmem>>, vector<1x1x1x16xi32>,
        %parallel_loop3A_280 = vector.shape_cast %parallel_loop3A_279 : vector<1x1x1x16xi32> to vector<16xi32>
        %parallel_loop3A_281 = vector.shape_cast %parallel_loop3A_214 : vector<16xi32> to vector<1x1x1x16xi32>
        tpu.vector_store %arg5[%parallel_loop3A_275, %parallel_loop3A_276, %parallel_loop3A_277, %parallel_loop3A_278], %parallel_loop3A_281 {strides = array<i32>} : memref<2x8x8x512xi32, #tpu.memory_space<vmem>>, vector<1x1x1x16xi32>,
        %parallel_loop3A_282 = arith.constant 16 : i32
        %parallel_loop3A_283 = arith.muli %parallel_loop3A_109, %parallel_loop3A_282 : i32
        %parallel_loop3A_284 = arith.constant 1 : i32
        %parallel_loop3A_285 = arith.constant 6 : i32
        %parallel_loop3A_286 = arith.index_cast %rem3A_65 : i32 to index
        %parallel_loop3A_287 = arith.index_cast %parallel_loop3A_284 : i32 to index
        %parallel_loop3A_288 = arith.index_cast %parallel_loop3A_285 : i32 to index
        %parallel_loop3A_289 = arith.index_cast %parallel_loop3A_283 : i32 to index
        %parallel_loop3A_290 = tpu.vector_load %arg5[%parallel_loop3A_286, %parallel_loop3A_287, %parallel_loop3A_288, %parallel_loop3A_289] {strides = array<i32>} : memref<2x8x8x512xi32, #tpu.memory_space<vmem>>, vector<1x1x1x16xi32>,
        %parallel_loop3A_291 = vector.shape_cast %parallel_loop3A_290 : vector<1x1x1x16xi32> to vector<16xi32>
        %parallel_loop3A_292 = vector.shape_cast %parallel_loop3A_214 : vector<16xi32> to vector<1x1x1x16xi32>
        tpu.vector_store %arg5[%parallel_loop3A_286, %parallel_loop3A_287, %parallel_loop3A_288, %parallel_loop3A_289], %parallel_loop3A_292 {strides = array<i32>} : memref<2x8x8x512xi32, #tpu.memory_space<vmem>>, vector<1x1x1x16xi32>,
        %parallel_loop3A_293 = arith.constant 16 : i32
        %parallel_loop3A_294 = arith.muli %parallel_loop3A_109, %parallel_loop3A_293 : i32
        %parallel_loop3A_295 = arith.constant 1 : i32
        %parallel_loop3A_296 = arith.constant 7 : i32
        %parallel_loop3A_297 = arith.index_cast %rem3A_65 : i32 to index
        %parallel_loop3A_298 = arith.index_cast %parallel_loop3A_295 : i32 to index
        %parallel_loop3A_299 = arith.index_cast %parallel_loop3A_296 : i32 to index
        %parallel_loop3A_300 = arith.index_cast %parallel_loop3A_294 : i32 to index
        %parallel_loop3A_301 = tpu.vector_load %arg5[%parallel_loop3A_297, %parallel_loop3A_298, %parallel_loop3A_299, %parallel_loop3A_300] {strides = array<i32>} : memref<2x8x8x512xi32, #tpu.memory_space<vmem>>, vector<1x1x1x16xi32>,
        %parallel_loop3A_302 = vector.shape_cast %parallel_loop3A_301 : vector<1x1x1x16xi32> to vector<16xi32>
        %parallel_loop3A_303 = vector.shape_cast %parallel_loop3A_214 : vector<16xi32> to vector<1x1x1x16xi32>
        tpu.vector_store %arg5[%parallel_loop3A_297, %parallel_loop3A_298, %parallel_loop3A_299, %parallel_loop3A_300], %parallel_loop3A_303 {strides = array<i32>} : memref<2x8x8x512xi32, #tpu.memory_space<vmem>>, vector<1x1x1x16xi32>,
        %parallel_loop3A_304 = arith.constant 16 : i32
        %parallel_loop3A_305 = arith.muli %parallel_loop3A_109, %parallel_loop3A_304 : i32
        %parallel_loop3A_306 = arith.constant 2 : i32
        %parallel_loop3A_307 = arith.index_cast %rem3A_65 : i32 to index
        %parallel_loop3A_308 = arith.index_cast %parallel_loop3A_306 : i32 to index
        %parallel_loop3A_309 = arith.index_cast %parallel_loop3A_305 : i32 to index
        %parallel_loop3A_310 = tpu.vector_load %arg4[%parallel_loop3A_307, %parallel_loop3A_308, %parallel_loop3A_309] {strides = array<i32>} : memref<2x8x512xi32, #tpu.memory_space<vmem>>, vector<1x1x16xi32>,
        %parallel_loop3A_311 = vector.shape_cast %parallel_loop3A_310 : vector<1x1x16xi32> to vector<16xi32>
        %parallel_loop3A_312 = arith.sitofp %parallel_loop3A_311 : vector<16xi32> to vector<16xf32>
        %parallel_loop3A_313 = arith.constant 16 : i32
        %parallel_loop3A_314 = arith.muli %parallel_loop3A_109, %parallel_loop3A_313 : i32
        %parallel_loop3A_315 = arith.constant 2 : i32
        %parallel_loop3A_316 = arith.constant 0 : i32
        %parallel_loop3A_317 = arith.index_cast %rem3A_65 : i32 to index
        %parallel_loop3A_318 = arith.index_cast %parallel_loop3A_315 : i32 to index
        %parallel_loop3A_319 = arith.index_cast %parallel_loop3A_316 : i32 to index
        %parallel_loop3A_320 = arith.index_cast %parallel_loop3A_314 : i32 to index
        %parallel_loop3A_321 = tpu.vector_load %arg5[%parallel_loop3A_317, %parallel_loop3A_318, %parallel_loop3A_319, %parallel_loop3A_320] {strides = array<i32>} : memref<2x8x8x512xi32, #tpu.memory_space<vmem>>, vector<1x1x1x16xi32>,
        %parallel_loop3A_322 = vector.shape_cast %parallel_loop3A_321 : vector<1x1x1x16xi32> to vector<16xi32>
        %parallel_loop3A_323 = vector.shape_cast %parallel_loop3A_311 : vector<16xi32> to vector<1x1x1x16xi32>
        tpu.vector_store %arg5[%parallel_loop3A_317, %parallel_loop3A_318, %parallel_loop3A_319, %parallel_loop3A_320], %parallel_loop3A_323 {strides = array<i32>} : memref<2x8x8x512xi32, #tpu.memory_space<vmem>>, vector<1x1x1x16xi32>,
        %parallel_loop3A_324 = arith.constant 16 : i32
        %parallel_loop3A_325 = arith.muli %parallel_loop3A_109, %parallel_loop3A_324 : i32
        %parallel_loop3A_326 = arith.constant 2 : i32
        %parallel_loop3A_327 = arith.constant 1 : i32
        %parallel_loop3A_328 = arith.index_cast %rem3A_65 : i32 to index
        %parallel_loop3A_329 = arith.index_cast %parallel_loop3A_326 : i32 to index
        %parallel_loop3A_330 = arith.index_cast %parallel_loop3A_327 : i32 to index
        %parallel_loop3A_331 = arith.index_cast %parallel_loop3A_325 : i32 to index
        %parallel_loop3A_332 = tpu.vector_load %arg5[%parallel_loop3A_328, %parallel_loop3A_329, %parallel_loop3A_330, %parallel_loop3A_331] {strides = array<i32>} : memref<2x8x8x512xi32, #tpu.memory_space<vmem>>, vector<1x1x1x16xi32>,
        %parallel_loop3A_333 = vector.shape_cast %parallel_loop3A_332 : vector<1x1x1x16xi32> to vector<16xi32>
        %parallel_loop3A_334 = vector.shape_cast %parallel_loop3A_311 : vector<16xi32> to vector<1x1x1x16xi32>
        tpu.vector_store %arg5[%parallel_loop3A_328, %parallel_loop3A_329, %parallel_loop3A_330, %parallel_loop3A_331], %parallel_loop3A_334 {strides = array<i32>} : memref<2x8x8x512xi32, #tpu.memory_space<vmem>>, vector<1x1x1x16xi32>,
        %parallel_loop3A_335 = arith.constant 16 : i32
        %parallel_loop3A_336 = arith.muli %parallel_loop3A_109, %parallel_loop3A_335 : i32
        %parallel_loop3A_337 = arith.constant 2 : i32
        %parallel_loop3A_338 = arith.constant 2 : i32
        %parallel_loop3A_339 = arith.index_cast %rem3A_65 : i32 to index
        %parallel_loop3A_340 = arith.index_cast %parallel_loop3A_337 : i32 to index
        %parallel_loop3A_341 = arith.index_cast %parallel_loop3A_338 : i32 to index
        %parallel_loop3A_342 = arith.index_cast %parallel_loop3A_336 : i32 to index
        %parallel_loop3A_343 = tpu.vector_load %arg5[%parallel_loop3A_339, %parallel_loop3A_340, %parallel_loop3A_341, %parallel_loop3A_342] {strides = array<i32>} : memref<2x8x8x512xi32, #tpu.memory_space<vmem>>, vector<1x1x1x16xi32>,
        %parallel_loop3A_344 = vector.shape_cast %parallel_loop3A_343 : vector<1x1x1x16xi32> to vector<16xi32>
        %parallel_loop3A_345 = vector.shape_cast %parallel_loop3A_311 : vector<16xi32> to vector<1x1x1x16xi32>
        tpu.vector_store %arg5[%parallel_loop3A_339, %parallel_loop3A_340, %parallel_loop3A_341, %parallel_loop3A_342], %parallel_loop3A_345 {strides = array<i32>} : memref<2x8x8x512xi32, #tpu.memory_space<vmem>>, vector<1x1x1x16xi32>,
        %parallel_loop3A_346 = arith.constant 16 : i32
        %parallel_loop3A_347 = arith.muli %parallel_loop3A_109, %parallel_loop3A_346 : i32
        %parallel_loop3A_348 = arith.constant 2 : i32
        %parallel_loop3A_349 = arith.constant 3 : i32
        %parallel_loop3A_350 = arith.index_cast %rem3A_65 : i32 to index
        %parallel_loop3A_351 = arith.index_cast %parallel_loop3A_348 : i32 to index
        %parallel_loop3A_352 = arith.index_cast %parallel_loop3A_349 : i32 to index
        %parallel_loop3A_353 = arith.index_cast %parallel_loop3A_347 : i32 to index
        %parallel_loop3A_354 = tpu.vector_load %arg5[%parallel_loop3A_350, %parallel_loop3A_351, %parallel_loop3A_352, %parallel_loop3A_353] {strides = array<i32>} : memref<2x8x8x512xi32, #tpu.memory_space<vmem>>, vector<1x1x1x16xi32>,
        %parallel_loop3A_355 = vector.shape_cast %parallel_loop3A_354 : vector<1x1x1x16xi32> to vector<16xi32>
        %parallel_loop3A_356 = vector.shape_cast %parallel_loop3A_311 : vector<16xi32> to vector<1x1x1x16xi32>
        tpu.vector_store %arg5[%parallel_loop3A_350, %parallel_loop3A_351, %parallel_loop3A_352, %parallel_loop3A_353], %parallel_loop3A_356 {strides = array<i32>} : memref<2x8x8x512xi32, #tpu.memory_space<vmem>>, vector<1x1x1x16xi32>,
        %parallel_loop3A_357 = arith.constant 16 : i32
        %parallel_loop3A_358 = arith.muli %parallel_loop3A_109, %parallel_loop3A_357 : i32
        %parallel_loop3A_359 = arith.constant 2 : i32
        %parallel_loop3A_360 = arith.constant 4 : i32
        %parallel_loop3A_361 = arith.index_cast %rem3A_65 : i32 to index
        %parallel_loop3A_362 = arith.index_cast %parallel_loop3A_359 : i32 to index
        %parallel_loop3A_363 = arith.index_cast %parallel_loop3A_360 : i32 to index
        %parallel_loop3A_364 = arith.index_cast %parallel_loop3A_358 : i32 to index
        %parallel_loop3A_365 = tpu.vector_load %arg5[%parallel_loop3A_361, %parallel_loop3A_362, %parallel_loop3A_363, %parallel_loop3A_364] {strides = array<i32>} : memref<2x8x8x512xi32, #tpu.memory_space<vmem>>, vector<1x1x1x16xi32>,
        %parallel_loop3A_366 = vector.shape_cast %parallel_loop3A_365 : vector<1x1x1x16xi32> to vector<16xi32>
        %parallel_loop3A_367 = vector.shape_cast %parallel_loop3A_311 : vector<16xi32> to vector<1x1x1x16xi32>
        tpu.vector_store %arg5[%parallel_loop3A_361, %parallel_loop3A_362, %parallel_loop3A_363, %parallel_loop3A_364], %parallel_loop3A_367 {strides = array<i32>} : memref<2x8x8x512xi32, #tpu.memory_space<vmem>>, vector<1x1x1x16xi32>,
        %parallel_loop3A_368 = arith.constant 16 : i32
        %parallel_loop3A_369 = arith.muli %parallel_loop3A_109, %parallel_loop3A_368 : i32
        %parallel_loop3A_370 = arith.constant 2 : i32
        %parallel_loop3A_371 = arith.constant 5 : i32
        %parallel_loop3A_372 = arith.index_cast %rem3A_65 : i32 to index
        %parallel_loop3A_373 = arith.index_cast %parallel_loop3A_370 : i32 to index
        %parallel_loop3A_374 = arith.index_cast %parallel_loop3A_371 : i32 to index
        %parallel_loop3A_375 = arith.index_cast %parallel_loop3A_369 : i32 to index
        %parallel_loop3A_376 = tpu.vector_load %arg5[%parallel_loop3A_372, %parallel_loop3A_373, %parallel_loop3A_374, %parallel_loop3A_375] {strides = array<i32>} : memref<2x8x8x512xi32, #tpu.memory_space<vmem>>, vector<1x1x1x16xi32>,
        %parallel_loop3A_377 = vector.shape_cast %parallel_loop3A_376 : vector<1x1x1x16xi32> to vector<16xi32>
        %parallel_loop3A_378 = vector.shape_cast %parallel_loop3A_311 : vector<16xi32> to vector<1x1x1x16xi32>
        tpu.vector_store %arg5[%parallel_loop3A_372, %parallel_loop3A_373, %parallel_loop3A_374, %parallel_loop3A_375], %parallel_loop3A_378 {strides = array<i32>} : memref<2x8x8x512xi32, #tpu.memory_space<vmem>>, vector<1x1x1x16xi32>,
        %parallel_loop3A_379 = arith.constant 16 : i32
        %parallel_loop3A_380 = arith.muli %parallel_loop3A_109, %parallel_loop3A_379 : i32
        %parallel_loop3A_381 = arith.constant 2 : i32
        %parallel_loop3A_382 = arith.constant 6 : i32
        %parallel_loop3A_383 = arith.index_cast %rem3A_65 : i32 to index
        %parallel_loop3A_384 = arith.index_cast %parallel_loop3A_381 : i32 to index
        %parallel_loop3A_385 = arith.index_cast %parallel_loop3A_382 : i32 to index
        %parallel_loop3A_386 = arith.index_cast %parallel_loop3A_380 : i32 to index
        %parallel_loop3A_387 = tpu.vector_load %arg5[%parallel_loop3A_383, %parallel_loop3A_384, %parallel_loop3A_385, %parallel_loop3A_386] {strides = array<i32>} : memref<2x8x8x512xi32, #tpu.memory_space<vmem>>, vector<1x1x1x16xi32>,
        %parallel_loop3A_388 = vector.shape_cast %parallel_loop3A_387 : vector<1x1x1x16xi32> to vector<16xi32>
        %parallel_loop3A_389 = vector.shape_cast %parallel_loop3A_311 : vector<16xi32> to vector<1x1x1x16xi32>
        tpu.vector_store %arg5[%parallel_loop3A_383, %parallel_loop3A_384, %parallel_loop3A_385, %parallel_loop3A_386], %parallel_loop3A_389 {strides = array<i32>} : memref<2x8x8x512xi32, #tpu.memory_space<vmem>>, vector<1x1x1x16xi32>,
        %parallel_loop3A_390 = arith.constant 16 : i32
        %parallel_loop3A_391 = arith.muli %parallel_loop3A_109, %parallel_loop3A_390 : i32
        %parallel_loop3A_392 = arith.constant 2 : i32
        %parallel_loop3A_393 = arith.constant 7 : i32
        %parallel_loop3A_394 = arith.index_cast %rem3A_65 : i32 to index
        %parallel_loop3A_395 = arith.index_cast %parallel_loop3A_392 : i32 to index
        %parallel_loop3A_396 = arith.index_cast %parallel_loop3A_393 : i32 to index
        %parallel_loop3A_397 = arith.index_cast %parallel_loop3A_391 : i32 to index
        %parallel_loop3A_398 = tpu.vector_load %arg5[%parallel_loop3A_394, %parallel_loop3A_395, %parallel_loop3A_396, %parallel_loop3A_397] {strides = array<i32>} : memref<2x8x8x512xi32, #tpu.memory_space<vmem>>, vector<1x1x1x16xi32>,
        %parallel_loop3A_399 = vector.shape_cast %parallel_loop3A_398 : vector<1x1x1x16xi32> to vector<16xi32>
        %parallel_loop3A_400 = vector.shape_cast %parallel_loop3A_311 : vector<16xi32> to vector<1x1x1x16xi32>
        tpu.vector_store %arg5[%parallel_loop3A_394, %parallel_loop3A_395, %parallel_loop3A_396, %parallel_loop3A_397], %parallel_loop3A_400 {strides = array<i32>} : memref<2x8x8x512xi32, #tpu.memory_space<vmem>>, vector<1x1x1x16xi32>,
        %parallel_loop3A_401 = arith.constant 16 : i32
        %parallel_loop3A_402 = arith.muli %parallel_loop3A_109, %parallel_loop3A_401 : i32
        %parallel_loop3A_403 = arith.constant 3 : i32
        %parallel_loop3A_404 = arith.index_cast %rem3A_65 : i32 to index
        %parallel_loop3A_405 = arith.index_cast %parallel_loop3A_403 : i32 to index
        %parallel_loop3A_406 = arith.index_cast %parallel_loop3A_402 : i32 to index
        %parallel_loop3A_407 = tpu.vector_load %arg4[%parallel_loop3A_404, %parallel_loop3A_405, %parallel_loop3A_406] {strides = array<i32>} : memref<2x8x512xi32, #tpu.memory_space<vmem>>, vector<1x1x16xi32>,
        %parallel_loop3A_408 = vector.shape_cast %parallel_loop3A_407 : vector<1x1x16xi32> to vector<16xi32>
        %parallel_loop3A_409 = arith.sitofp %parallel_loop3A_408 : vector<16xi32> to vector<16xf32>
        %parallel_loop3A_410 = arith.constant 16 : i32
        %parallel_loop3A_411 = arith.muli %parallel_loop3A_109, %parallel_loop3A_410 : i32
        %parallel_loop3A_412 = arith.constant 3 : i32
        %parallel_loop3A_413 = arith.constant 0 : i32
        %parallel_loop3A_414 = arith.index_cast %rem3A_65 : i32 to index
        %parallel_loop3A_415 = arith.index_cast %parallel_loop3A_412 : i32 to index
        %parallel_loop3A_416 = arith.index_cast %parallel_loop3A_413 : i32 to index
        %parallel_loop3A_417 = arith.index_cast %parallel_loop3A_411 : i32 to index
        %parallel_loop3A_418 = tpu.vector_load %arg5[%parallel_loop3A_414, %parallel_loop3A_415, %parallel_loop3A_416, %parallel_loop3A_417] {strides = array<i32>} : memref<2x8x8x512xi32, #tpu.memory_space<vmem>>, vector<1x1x1x16xi32>,
        %parallel_loop3A_419 = vector.shape_cast %parallel_loop3A_418 : vector<1x1x1x16xi32> to vector<16xi32>
        %parallel_loop3A_420 = vector.shape_cast %parallel_loop3A_408 : vector<16xi32> to vector<1x1x1x16xi32>
        tpu.vector_store %arg5[%parallel_loop3A_414, %parallel_loop3A_415, %parallel_loop3A_416, %parallel_loop3A_417], %parallel_loop3A_420 {strides = array<i32>} : memref<2x8x8x512xi32, #tpu.memory_space<vmem>>, vector<1x1x1x16xi32>,
        %parallel_loop3A_421 = arith.constant 16 : i32
        %parallel_loop3A_422 = arith.muli %parallel_loop3A_109, %parallel_loop3A_421 : i32
        %parallel_loop3A_423 = arith.constant 3 : i32
        %parallel_loop3A_424 = arith.constant 1 : i32
        %parallel_loop3A_425 = arith.index_cast %rem3A_65 : i32 to index
        %parallel_loop3A_426 = arith.index_cast %parallel_loop3A_423 : i32 to index
        %parallel_loop3A_427 = arith.index_cast %parallel_loop3A_424 : i32 to index
        %parallel_loop3A_428 = arith.index_cast %parallel_loop3A_422 : i32 to index
        %parallel_loop3A_429 = tpu.vector_load %arg5[%parallel_loop3A_425, %parallel_loop3A_426, %parallel_loop3A_427, %parallel_loop3A_428] {strides = array<i32>} : memref<2x8x8x512xi32, #tpu.memory_space<vmem>>, vector<1x1x1x16xi32>,
        %parallel_loop3A_430 = vector.shape_cast %parallel_loop3A_429 : vector<1x1x1x16xi32> to vector<16xi32>
        %parallel_loop3A_431 = vector.shape_cast %parallel_loop3A_408 : vector<16xi32> to vector<1x1x1x16xi32>
        tpu.vector_store %arg5[%parallel_loop3A_425, %parallel_loop3A_426, %parallel_loop3A_427, %parallel_loop3A_428], %parallel_loop3A_431 {strides = array<i32>} : memref<2x8x8x512xi32, #tpu.memory_space<vmem>>, vector<1x1x1x16xi32>,
        %parallel_loop3A_432 = arith.constant 16 : i32
        %parallel_loop3A_433 = arith.muli %parallel_loop3A_109, %parallel_loop3A_432 : i32
        %parallel_loop3A_434 = arith.constant 3 : i32
        %parallel_loop3A_435 = arith.constant 2 : i32
        %parallel_loop3A_436 = arith.index_cast %rem3A_65 : i32 to index
        %parallel_loop3A_437 = arith.index_cast %parallel_loop3A_434 : i32 to index
        %parallel_loop3A_438 = arith.index_cast %parallel_loop3A_435 : i32 to index
        %parallel_loop3A_439 = arith.index_cast %parallel_loop3A_433 : i32 to index
        %parallel_loop3A_440 = tpu.vector_load %arg5[%parallel_loop3A_436, %parallel_loop3A_437, %parallel_loop3A_438, %parallel_loop3A_439] {strides = array<i32>} : memref<2x8x8x512xi32, #tpu.memory_space<vmem>>, vector<1x1x1x16xi32>,
        %parallel_loop3A_441 = vector.shape_cast %parallel_loop3A_440 : vector<1x1x1x16xi32> to vector<16xi32>
        %parallel_loop3A_442 = vector.shape_cast %parallel_loop3A_408 : vector<16xi32> to vector<1x1x1x16xi32>
        tpu.vector_store %arg5[%parallel_loop3A_436, %parallel_loop3A_437, %parallel_loop3A_438, %parallel_loop3A_439], %parallel_loop3A_442 {strides = array<i32>} : memref<2x8x8x512xi32, #tpu.memory_space<vmem>>, vector<1x1x1x16xi32>,
        %parallel_loop3A_443 = arith.constant 16 : i32
        %parallel_loop3A_444 = arith.muli %parallel_loop3A_109, %parallel_loop3A_443 : i32
        %parallel_loop3A_445 = arith.constant 3 : i32
        %parallel_loop3A_446 = arith.constant 3 : i32
        %parallel_loop3A_447 = arith.index_cast %rem3A_65 : i32 to index
        %parallel_loop3A_448 = arith.index_cast %parallel_loop3A_445 : i32 to index
        %parallel_loop3A_449 = arith.index_cast %parallel_loop3A_446 : i32 to index
        %parallel_loop3A_450 = arith.index_cast %parallel_loop3A_444 : i32 to index
        %parallel_loop3A_451 = tpu.vector_load %arg5[%parallel_loop3A_447, %parallel_loop3A_448, %parallel_loop3A_449, %parallel_loop3A_450] {strides = array<i32>} : memref<2x8x8x512xi32, #tpu.memory_space<vmem>>, vector<1x1x1x16xi32>,
        %parallel_loop3A_452 = vector.shape_cast %parallel_loop3A_451 : vector<1x1x1x16xi32> to vector<16xi32>
        %parallel_loop3A_453 = vector.shape_cast %parallel_loop3A_408 : vector<16xi32> to vector<1x1x1x16xi32>
        tpu.vector_store %arg5[%parallel_loop3A_447, %parallel_loop3A_448, %parallel_loop3A_449, %parallel_loop3A_450], %parallel_loop3A_453 {strides = array<i32>} : memref<2x8x8x512xi32, #tpu.memory_space<vmem>>, vector<1x1x1x16xi32>,
        %parallel_loop3A_454 = arith.constant 16 : i32
        %parallel_loop3A_455 = arith.muli %parallel_loop3A_109, %parallel_loop3A_454 : i32
        %parallel_loop3A_456 = arith.constant 3 : i32
        %parallel_loop3A_457 = arith.constant 4 : i32
        %parallel_loop3A_458 = arith.index_cast %rem3A_65 : i32 to index
        %parallel_loop3A_459 = arith.index_cast %parallel_loop3A_456 : i32 to index
        %parallel_loop3A_460 = arith.index_cast %parallel_loop3A_457 : i32 to index
        %parallel_loop3A_461 = arith.index_cast %parallel_loop3A_455 : i32 to index
        %parallel_loop3A_462 = tpu.vector_load %arg5[%parallel_loop3A_458, %parallel_loop3A_459, %parallel_loop3A_460, %parallel_loop3A_461] {strides = array<i32>} : memref<2x8x8x512xi32, #tpu.memory_space<vmem>>, vector<1x1x1x16xi32>,
        %parallel_loop3A_463 = vector.shape_cast %parallel_loop3A_462 : vector<1x1x1x16xi32> to vector<16xi32>
        %parallel_loop3A_464 = vector.shape_cast %parallel_loop3A_408 : vector<16xi32> to vector<1x1x1x16xi32>
        tpu.vector_store %arg5[%parallel_loop3A_458, %parallel_loop3A_459, %parallel_loop3A_460, %parallel_loop3A_461], %parallel_loop3A_464 {strides = array<i32>} : memref<2x8x8x512xi32, #tpu.memory_space<vmem>>, vector<1x1x1x16xi32>,
        %parallel_loop3A_465 = arith.constant 16 : i32
        %parallel_loop3A_466 = arith.muli %parallel_loop3A_109, %parallel_loop3A_465 : i32
        %parallel_loop3A_467 = arith.constant 3 : i32
        %parallel_loop3A_468 = arith.constant 5 : i32
        %parallel_loop3A_469 = arith.index_cast %rem3A_65 : i32 to index
        %parallel_loop3A_470 = arith.index_cast %parallel_loop3A_467 : i32 to index
        %parallel_loop3A_471 = arith.index_cast %parallel_loop3A_468 : i32 to index
        %parallel_loop3A_472 = arith.index_cast %parallel_loop3A_466 : i32 to index
        %parallel_loop3A_473 = tpu.vector_load %arg5[%parallel_loop3A_469, %parallel_loop3A_470, %parallel_loop3A_471, %parallel_loop3A_472] {strides = array<i32>} : memref<2x8x8x512xi32, #tpu.memory_space<vmem>>, vector<1x1x1x16xi32>,
        %parallel_loop3A_474 = vector.shape_cast %parallel_loop3A_473 : vector<1x1x1x16xi32> to vector<16xi32>
        %parallel_loop3A_475 = vector.shape_cast %parallel_loop3A_408 : vector<16xi32> to vector<1x1x1x16xi32>
        tpu.vector_store %arg5[%parallel_loop3A_469, %parallel_loop3A_470, %parallel_loop3A_471, %parallel_loop3A_472], %parallel_loop3A_475 {strides = array<i32>} : memref<2x8x8x512xi32, #tpu.memory_space<vmem>>, vector<1x1x1x16xi32>,
        %parallel_loop3A_476 = arith.constant 16 : i32
        %parallel_loop3A_477 = arith.muli %parallel_loop3A_109, %parallel_loop3A_476 : i32
        %parallel_loop3A_478 = arith.constant 3 : i32
        %parallel_loop3A_479 = arith.constant 6 : i32
        %parallel_loop3A_480 = arith.index_cast %rem3A_65 : i32 to index
        %parallel_loop3A_481 = arith.index_cast %parallel_loop3A_478 : i32 to index
        %parallel_loop3A_482 = arith.index_cast %parallel_loop3A_479 : i32 to index
        %parallel_loop3A_483 = arith.index_cast %parallel_loop3A_477 : i32 to index
        %parallel_loop3A_484 = tpu.vector_load %arg5[%parallel_loop3A_480, %parallel_loop3A_481, %parallel_loop3A_482, %parallel_loop3A_483] {strides = array<i32>} : memref<2x8x8x512xi32, #tpu.memory_space<vmem>>, vector<1x1x1x16xi32>,
        %parallel_loop3A_485 = vector.shape_cast %parallel_loop3A_484 : vector<1x1x1x16xi32> to vector<16xi32>
        %parallel_loop3A_486 = vector.shape_cast %parallel_loop3A_408 : vector<16xi32> to vector<1x1x1x16xi32>
        tpu.vector_store %arg5[%parallel_loop3A_480, %parallel_loop3A_481, %parallel_loop3A_482, %parallel_loop3A_483], %parallel_loop3A_486 {strides = array<i32>} : memref<2x8x8x512xi32, #tpu.memory_space<vmem>>, vector<1x1x1x16xi32>,
        %parallel_loop3A_487 = arith.constant 16 : i32
        %parallel_loop3A_488 = arith.muli %parallel_loop3A_109, %parallel_loop3A_487 : i32
        %parallel_loop3A_489 = arith.constant 3 : i32
        %parallel_loop3A_490 = arith.constant 7 : i32
        %parallel_loop3A_491 = arith.index_cast %rem3A_65 : i32 to index
        %parallel_loop3A_492 = arith.index_cast %parallel_loop3A_489 : i32 to index
        %parallel_loop3A_493 = arith.index_cast %parallel_loop3A_490 : i32 to index
        %parallel_loop3A_494 = arith.index_cast %parallel_loop3A_488 : i32 to index
        %parallel_loop3A_495 = tpu.vector_load %arg5[%parallel_loop3A_491, %parallel_loop3A_492, %parallel_loop3A_493, %parallel_loop3A_494] {strides = array<i32>} : memref<2x8x8x512xi32, #tpu.memory_space<vmem>>, vector<1x1x1x16xi32>,
        %parallel_loop3A_496 = vector.shape_cast %parallel_loop3A_495 : vector<1x1x1x16xi32> to vector<16xi32>
        %parallel_loop3A_497 = vector.shape_cast %parallel_loop3A_408 : vector<16xi32> to vector<1x1x1x16xi32>
        tpu.vector_store %arg5[%parallel_loop3A_491, %parallel_loop3A_492, %parallel_loop3A_493, %parallel_loop3A_494], %parallel_loop3A_497 {strides = array<i32>} : memref<2x8x8x512xi32, #tpu.memory_space<vmem>>, vector<1x1x1x16xi32>,
        %parallel_loop3A_498 = arith.constant 16 : i32
        %parallel_loop3A_499 = arith.muli %parallel_loop3A_109, %parallel_loop3A_498 : i32
        %parallel_loop3A_500 = arith.constant 4 : i32
        %parallel_loop3A_501 = arith.index_cast %rem3A_65 : i32 to index
        %parallel_loop3A_502 = arith.index_cast %parallel_loop3A_500 : i32 to index
        %parallel_loop3A_503 = arith.index_cast %parallel_loop3A_499 : i32 to index
        %parallel_loop3A_504 = tpu.vector_load %arg4[%parallel_loop3A_501, %parallel_loop3A_502, %parallel_loop3A_503] {strides = array<i32>} : memref<2x8x512xi32, #tpu.memory_space<vmem>>, vector<1x1x16xi32>,
        %parallel_loop3A_505 = vector.shape_cast %parallel_loop3A_504 : vector<1x1x16xi32> to vector<16xi32>
        %parallel_loop3A_506 = arith.sitofp %parallel_loop3A_505 : vector<16xi32> to vector<16xf32>
        %parallel_loop3A_507 = arith.constant 16 : i32
        %parallel_loop3A_508 = arith.muli %parallel_loop3A_109, %parallel_loop3A_507 : i32
        %parallel_loop3A_509 = arith.constant 4 : i32
        %parallel_loop3A_510 = arith.constant 0 : i32
        %parallel_loop3A_511 = arith.index_cast %rem3A_65 : i32 to index
        %parallel_loop3A_512 = arith.index_cast %parallel_loop3A_509 : i32 to index
        %parallel_loop3A_513 = arith.index_cast %parallel_loop3A_510 : i32 to index
        %parallel_loop3A_514 = arith.index_cast %parallel_loop3A_508 : i32 to index
        %parallel_loop3A_515 = tpu.vector_load %arg5[%parallel_loop3A_511, %parallel_loop3A_512, %parallel_loop3A_513, %parallel_loop3A_514] {strides = array<i32>} : memref<2x8x8x512xi32, #tpu.memory_space<vmem>>, vector<1x1x1x16xi32>,
        %parallel_loop3A_516 = vector.shape_cast %parallel_loop3A_515 : vector<1x1x1x16xi32> to vector<16xi32>
        %parallel_loop3A_517 = vector.shape_cast %parallel_loop3A_505 : vector<16xi32> to vector<1x1x1x16xi32>
        tpu.vector_store %arg5[%parallel_loop3A_511, %parallel_loop3A_512, %parallel_loop3A_513, %parallel_loop3A_514], %parallel_loop3A_517 {strides = array<i32>} : memref<2x8x8x512xi32, #tpu.memory_space<vmem>>, vector<1x1x1x16xi32>,
        %parallel_loop3A_518 = arith.constant 16 : i32
        %parallel_loop3A_519 = arith.muli %parallel_loop3A_109, %parallel_loop3A_518 : i32
        %parallel_loop3A_520 = arith.constant 4 : i32
        %parallel_loop3A_521 = arith.constant 1 : i32
        %parallel_loop3A_522 = arith.index_cast %rem3A_65 : i32 to index
        %parallel_loop3A_523 = arith.index_cast %parallel_loop3A_520 : i32 to index
        %parallel_loop3A_524 = arith.index_cast %parallel_loop3A_521 : i32 to index
        %parallel_loop3A_525 = arith.index_cast %parallel_loop3A_519 : i32 to index
        %parallel_loop3A_526 = tpu.vector_load %arg5[%parallel_loop3A_522, %parallel_loop3A_523, %parallel_loop3A_524, %parallel_loop3A_525] {strides = array<i32>} : memref<2x8x8x512xi32, #tpu.memory_space<vmem>>, vector<1x1x1x16xi32>,
        %parallel_loop3A_527 = vector.shape_cast %parallel_loop3A_526 : vector<1x1x1x16xi32> to vector<16xi32>
        %parallel_loop3A_528 = vector.shape_cast %parallel_loop3A_505 : vector<16xi32> to vector<1x1x1x16xi32>
        tpu.vector_store %arg5[%parallel_loop3A_522, %parallel_loop3A_523, %parallel_loop3A_524, %parallel_loop3A_525], %parallel_loop3A_528 {strides = array<i32>} : memref<2x8x8x512xi32, #tpu.memory_space<vmem>>, vector<1x1x1x16xi32>,
        %parallel_loop3A_529 = arith.constant 16 : i32
        %parallel_loop3A_530 = arith.muli %parallel_loop3A_109, %parallel_loop3A_529 : i32
        %parallel_loop3A_531 = arith.constant 4 : i32
        %parallel_loop3A_532 = arith.constant 2 : i32
        %parallel_loop3A_533 = arith.index_cast %rem3A_65 : i32 to index
        %parallel_loop3A_534 = arith.index_cast %parallel_loop3A_531 : i32 to index
        %parallel_loop3A_535 = arith.index_cast %parallel_loop3A_532 : i32 to index
        %parallel_loop3A_536 = arith.index_cast %parallel_loop3A_530 : i32 to index
        %parallel_loop3A_537 = tpu.vector_load %arg5[%parallel_loop3A_533, %parallel_loop3A_534, %parallel_loop3A_535, %parallel_loop3A_536] {strides = array<i32>} : memref<2x8x8x512xi32, #tpu.memory_space<vmem>>, vector<1x1x1x16xi32>,
        %parallel_loop3A_538 = vector.shape_cast %parallel_loop3A_537 : vector<1x1x1x16xi32> to vector<16xi32>
        %parallel_loop3A_539 = vector.shape_cast %parallel_loop3A_505 : vector<16xi32> to vector<1x1x1x16xi32>
        tpu.vector_store %arg5[%parallel_loop3A_533, %parallel_loop3A_534, %parallel_loop3A_535, %parallel_loop3A_536], %parallel_loop3A_539 {strides = array<i32>} : memref<2x8x8x512xi32, #tpu.memory_space<vmem>>, vector<1x1x1x16xi32>,
        %parallel_loop3A_540 = arith.constant 16 : i32
        %parallel_loop3A_541 = arith.muli %parallel_loop3A_109, %parallel_loop3A_540 : i32
        %parallel_loop3A_542 = arith.constant 4 : i32
        %parallel_loop3A_543 = arith.constant 3 : i32
        %parallel_loop3A_544 = arith.index_cast %rem3A_65 : i32 to index
        %parallel_loop3A_545 = arith.index_cast %parallel_loop3A_542 : i32 to index
        %parallel_loop3A_546 = arith.index_cast %parallel_loop3A_543 : i32 to index
        %parallel_loop3A_547 = arith.index_cast %parallel_loop3A_541 : i32 to index
        %parallel_loop3A_548 = tpu.vector_load %arg5[%parallel_loop3A_544, %parallel_loop3A_545, %parallel_loop3A_546, %parallel_loop3A_547] {strides = array<i32>} : memref<2x8x8x512xi32, #tpu.memory_space<vmem>>, vector<1x1x1x16xi32>,
        %parallel_loop3A_549 = vector.shape_cast %parallel_loop3A_548 : vector<1x1x1x16xi32> to vector<16xi32>
        %parallel_loop3A_550 = vector.shape_cast %parallel_loop3A_505 : vector<16xi32> to vector<1x1x1x16xi32>
        tpu.vector_store %arg5[%parallel_loop3A_544, %parallel_loop3A_545, %parallel_loop3A_546, %parallel_loop3A_547], %parallel_loop3A_550 {strides = array<i32>} : memref<2x8x8x512xi32, #tpu.memory_space<vmem>>, vector<1x1x1x16xi32>,
        %parallel_loop3A_551 = arith.constant 16 : i32
        %parallel_loop3A_552 = arith.muli %parallel_loop3A_109, %parallel_loop3A_551 : i32
        %parallel_loop3A_553 = arith.constant 4 : i32
        %parallel_loop3A_554 = arith.constant 4 : i32
        %parallel_loop3A_555 = arith.index_cast %rem3A_65 : i32 to index
        %parallel_loop3A_556 = arith.index_cast %parallel_loop3A_553 : i32 to index
        %parallel_loop3A_557 = arith.index_cast %parallel_loop3A_554 : i32 to index
        %parallel_loop3A_558 = arith.index_cast %parallel_loop3A_552 : i32 to index
        %parallel_loop3A_559 = tpu.vector_load %arg5[%parallel_loop3A_555, %parallel_loop3A_556, %parallel_loop3A_557, %parallel_loop3A_558] {strides = array<i32>} : memref<2x8x8x512xi32, #tpu.memory_space<vmem>>, vector<1x1x1x16xi32>,
        %parallel_loop3A_560 = vector.shape_cast %parallel_loop3A_559 : vector<1x1x1x16xi32> to vector<16xi32>
        %parallel_loop3A_561 = vector.shape_cast %parallel_loop3A_505 : vector<16xi32> to vector<1x1x1x16xi32>
        tpu.vector_store %arg5[%parallel_loop3A_555, %parallel_loop3A_556, %parallel_loop3A_557, %parallel_loop3A_558], %parallel_loop3A_561 {strides = array<i32>} : memref<2x8x8x512xi32, #tpu.memory_space<vmem>>, vector<1x1x1x16xi32>,
        %parallel_loop3A_562 = arith.constant 16 : i32
        %parallel_loop3A_563 = arith.muli %parallel_loop3A_109, %parallel_loop3A_562 : i32
        %parallel_loop3A_564 = arith.constant 4 : i32
        %parallel_loop3A_565 = arith.constant 5 : i32
        %parallel_loop3A_566 = arith.index_cast %rem3A_65 : i32 to index
        %parallel_loop3A_567 = arith.index_cast %parallel_loop3A_564 : i32 to index
        %parallel_loop3A_568 = arith.index_cast %parallel_loop3A_565 : i32 to index
        %parallel_loop3A_569 = arith.index_cast %parallel_loop3A_563 : i32 to index
        %parallel_loop3A_570 = tpu.vector_load %arg5[%parallel_loop3A_566, %parallel_loop3A_567, %parallel_loop3A_568, %parallel_loop3A_569] {strides = array<i32>} : memref<2x8x8x512xi32, #tpu.memory_space<vmem>>, vector<1x1x1x16xi32>,
        %parallel_loop3A_571 = vector.shape_cast %parallel_loop3A_570 : vector<1x1x1x16xi32> to vector<16xi32>
        %parallel_loop3A_572 = vector.shape_cast %parallel_loop3A_505 : vector<16xi32> to vector<1x1x1x16xi32>
        tpu.vector_store %arg5[%parallel_loop3A_566, %parallel_loop3A_567, %parallel_loop3A_568, %parallel_loop3A_569], %parallel_loop3A_572 {strides = array<i32>} : memref<2x8x8x512xi32, #tpu.memory_space<vmem>>, vector<1x1x1x16xi32>,
        %parallel_loop3A_573 = arith.constant 16 : i32
        %parallel_loop3A_574 = arith.muli %parallel_loop3A_109, %parallel_loop3A_573 : i32
        %parallel_loop3A_575 = arith.constant 4 : i32
        %parallel_loop3A_576 = arith.constant 6 : i32
        %parallel_loop3A_577 = arith.index_cast %rem3A_65 : i32 to index
        %parallel_loop3A_578 = arith.index_cast %parallel_loop3A_575 : i32 to index
        %parallel_loop3A_579 = arith.index_cast %parallel_loop3A_576 : i32 to index
        %parallel_loop3A_580 = arith.index_cast %parallel_loop3A_574 : i32 to index
        %parallel_loop3A_581 = tpu.vector_load %arg5[%parallel_loop3A_577, %parallel_loop3A_578, %parallel_loop3A_579, %parallel_loop3A_580] {strides = array<i32>} : memref<2x8x8x512xi32, #tpu.memory_space<vmem>>, vector<1x1x1x16xi32>,
        %parallel_loop3A_582 = vector.shape_cast %parallel_loop3A_581 : vector<1x1x1x16xi32> to vector<16xi32>
        %parallel_loop3A_583 = vector.shape_cast %parallel_loop3A_505 : vector<16xi32> to vector<1x1x1x16xi32>
        tpu.vector_store %arg5[%parallel_loop3A_577, %parallel_loop3A_578, %parallel_loop3A_579, %parallel_loop3A_580], %parallel_loop3A_583 {strides = array<i32>} : memref<2x8x8x512xi32, #tpu.memory_space<vmem>>, vector<1x1x1x16xi32>,
        %parallel_loop3A_584 = arith.constant 16 : i32
        %parallel_loop3A_585 = arith.muli %parallel_loop3A_109, %parallel_loop3A_584 : i32
        %parallel_loop3A_586 = arith.constant 4 : i32
        %parallel_loop3A_587 = arith.constant 7 : i32
        %parallel_loop3A_588 = arith.index_cast %rem3A_65 : i32 to index
        %parallel_loop3A_589 = arith.index_cast %parallel_loop3A_586 : i32 to index
        %parallel_loop3A_590 = arith.index_cast %parallel_loop3A_587 : i32 to index
        %parallel_loop3A_591 = arith.index_cast %parallel_loop3A_585 : i32 to index
        %parallel_loop3A_592 = tpu.vector_load %arg5[%parallel_loop3A_588, %parallel_loop3A_589, %parallel_loop3A_590, %parallel_loop3A_591] {strides = array<i32>} : memref<2x8x8x512xi32, #tpu.memory_space<vmem>>, vector<1x1x1x16xi32>,
        %parallel_loop3A_593 = vector.shape_cast %parallel_loop3A_592 : vector<1x1x1x16xi32> to vector<16xi32>
        %parallel_loop3A_594 = vector.shape_cast %parallel_loop3A_505 : vector<16xi32> to vector<1x1x1x16xi32>
        tpu.vector_store %arg5[%parallel_loop3A_588, %parallel_loop3A_589, %parallel_loop3A_590, %parallel_loop3A_591], %parallel_loop3A_594 {strides = array<i32>} : memref<2x8x8x512xi32, #tpu.memory_space<vmem>>, vector<1x1x1x16xi32>,
        %parallel_loop3A_595 = arith.constant 16 : i32
        %parallel_loop3A_596 = arith.muli %parallel_loop3A_109, %parallel_loop3A_595 : i32
        %parallel_loop3A_597 = arith.constant 5 : i32
        %parallel_loop3A_598 = arith.index_cast %rem3A_65 : i32 to index
        %parallel_loop3A_599 = arith.index_cast %parallel_loop3A_597 : i32 to index
        %parallel_loop3A_600 = arith.index_cast %parallel_loop3A_596 : i32 to index
        %parallel_loop3A_601 = tpu.vector_load %arg4[%parallel_loop3A_598, %parallel_loop3A_599, %parallel_loop3A_600] {strides = array<i32>} : memref<2x8x512xi32, #tpu.memory_space<vmem>>, vector<1x1x16xi32>,
        %parallel_loop3A_602 = vector.shape_cast %parallel_loop3A_601 : vector<1x1x16xi32> to vector<16xi32>
        %parallel_loop3A_603 = arith.sitofp %parallel_loop3A_602 : vector<16xi32> to vector<16xf32>
        %parallel_loop3A_604 = arith.constant 16 : i32
        %parallel_loop3A_605 = arith.muli %parallel_loop3A_109, %parallel_loop3A_604 : i32
        %parallel_loop3A_606 = arith.constant 5 : i32
        %parallel_loop3A_607 = arith.constant 0 : i32
        %parallel_loop3A_608 = arith.index_cast %rem3A_65 : i32 to index
        %parallel_loop3A_609 = arith.index_cast %parallel_loop3A_606 : i32 to index
        %parallel_loop3A_610 = arith.index_cast %parallel_loop3A_607 : i32 to index
        %parallel_loop3A_611 = arith.index_cast %parallel_loop3A_605 : i32 to index
        %parallel_loop3A_612 = tpu.vector_load %arg5[%parallel_loop3A_608, %parallel_loop3A_609, %parallel_loop3A_610, %parallel_loop3A_611] {strides = array<i32>} : memref<2x8x8x512xi32, #tpu.memory_space<vmem>>, vector<1x1x1x16xi32>,
        %parallel_loop3A_613 = vector.shape_cast %parallel_loop3A_612 : vector<1x1x1x16xi32> to vector<16xi32>
        %parallel_loop3A_614 = vector.shape_cast %parallel_loop3A_602 : vector<16xi32> to vector<1x1x1x16xi32>
        tpu.vector_store %arg5[%parallel_loop3A_608, %parallel_loop3A_609, %parallel_loop3A_610, %parallel_loop3A_611], %parallel_loop3A_614 {strides = array<i32>} : memref<2x8x8x512xi32, #tpu.memory_space<vmem>>, vector<1x1x1x16xi32>,
        %parallel_loop3A_615 = arith.constant 16 : i32
        %parallel_loop3A_616 = arith.muli %parallel_loop3A_109, %parallel_loop3A_615 : i32
        %parallel_loop3A_617 = arith.constant 5 : i32
        %parallel_loop3A_618 = arith.constant 1 : i32
        %parallel_loop3A_619 = arith.index_cast %rem3A_65 : i32 to index
        %parallel_loop3A_620 = arith.index_cast %parallel_loop3A_617 : i32 to index
        %parallel_loop3A_621 = arith.index_cast %parallel_loop3A_618 : i32 to index
        %parallel_loop3A_622 = arith.index_cast %parallel_loop3A_616 : i32 to index
        %parallel_loop3A_623 = tpu.vector_load %arg5[%parallel_loop3A_619, %parallel_loop3A_620, %parallel_loop3A_621, %parallel_loop3A_622] {strides = array<i32>} : memref<2x8x8x512xi32, #tpu.memory_space<vmem>>, vector<1x1x1x16xi32>,
        %parallel_loop3A_624 = vector.shape_cast %parallel_loop3A_623 : vector<1x1x1x16xi32> to vector<16xi32>
        %parallel_loop3A_625 = vector.shape_cast %parallel_loop3A_602 : vector<16xi32> to vector<1x1x1x16xi32>
        tpu.vector_store %arg5[%parallel_loop3A_619, %parallel_loop3A_620, %parallel_loop3A_621, %parallel_loop3A_622], %parallel_loop3A_625 {strides = array<i32>} : memref<2x8x8x512xi32, #tpu.memory_space<vmem>>, vector<1x1x1x16xi32>,
        %parallel_loop3A_626 = arith.constant 16 : i32
        %parallel_loop3A_627 = arith.muli %parallel_loop3A_109, %parallel_loop3A_626 : i32
        %parallel_loop3A_628 = arith.constant 5 : i32
        %parallel_loop3A_629 = arith.constant 2 : i32
        %parallel_loop3A_630 = arith.index_cast %rem3A_65 : i32 to index
        %parallel_loop3A_631 = arith.index_cast %parallel_loop3A_628 : i32 to index
        %parallel_loop3A_632 = arith.index_cast %parallel_loop3A_629 : i32 to index
        %parallel_loop3A_633 = arith.index_cast %parallel_loop3A_627 : i32 to index
        %parallel_loop3A_634 = tpu.vector_load %arg5[%parallel_loop3A_630, %parallel_loop3A_631, %parallel_loop3A_632, %parallel_loop3A_633] {strides = array<i32>} : memref<2x8x8x512xi32, #tpu.memory_space<vmem>>, vector<1x1x1x16xi32>,
        %parallel_loop3A_635 = vector.shape_cast %parallel_loop3A_634 : vector<1x1x1x16xi32> to vector<16xi32>
        %parallel_loop3A_636 = vector.shape_cast %parallel_loop3A_602 : vector<16xi32> to vector<1x1x1x16xi32>
        tpu.vector_store %arg5[%parallel_loop3A_630, %parallel_loop3A_631, %parallel_loop3A_632, %parallel_loop3A_633], %parallel_loop3A_636 {strides = array<i32>} : memref<2x8x8x512xi32, #tpu.memory_space<vmem>>, vector<1x1x1x16xi32>,
        %parallel_loop3A_637 = arith.constant 16 : i32
        %parallel_loop3A_638 = arith.muli %parallel_loop3A_109, %parallel_loop3A_637 : i32
        %parallel_loop3A_639 = arith.constant 5 : i32
        %parallel_loop3A_640 = arith.constant 3 : i32
        %parallel_loop3A_641 = arith.index_cast %rem3A_65 : i32 to index
        %parallel_loop3A_642 = arith.index_cast %parallel_loop3A_639 : i32 to index
        %parallel_loop3A_643 = arith.index_cast %parallel_loop3A_640 : i32 to index
        %parallel_loop3A_644 = arith.index_cast %parallel_loop3A_638 : i32 to index
        %parallel_loop3A_645 = tpu.vector_load %arg5[%parallel_loop3A_641, %parallel_loop3A_642, %parallel_loop3A_643, %parallel_loop3A_644] {strides = array<i32>} : memref<2x8x8x512xi32, #tpu.memory_space<vmem>>, vector<1x1x1x16xi32>,
        %parallel_loop3A_646 = vector.shape_cast %parallel_loop3A_645 : vector<1x1x1x16xi32> to vector<16xi32>
        %parallel_loop3A_647 = vector.shape_cast %parallel_loop3A_602 : vector<16xi32> to vector<1x1x1x16xi32>
        tpu.vector_store %arg5[%parallel_loop3A_641, %parallel_loop3A_642, %parallel_loop3A_643, %parallel_loop3A_644], %parallel_loop3A_647 {strides = array<i32>} : memref<2x8x8x512xi32, #tpu.memory_space<vmem>>, vector<1x1x1x16xi32>,
        %parallel_loop3A_648 = arith.constant 16 : i32
        %parallel_loop3A_649 = arith.muli %parallel_loop3A_109, %parallel_loop3A_648 : i32
        %parallel_loop3A_650 = arith.constant 5 : i32
        %parallel_loop3A_651 = arith.constant 4 : i32
        %parallel_loop3A_652 = arith.index_cast %rem3A_65 : i32 to index
        %parallel_loop3A_653 = arith.index_cast %parallel_loop3A_650 : i32 to index
        %parallel_loop3A_654 = arith.index_cast %parallel_loop3A_651 : i32 to index
        %parallel_loop3A_655 = arith.index_cast %parallel_loop3A_649 : i32 to index
        %parallel_loop3A_656 = tpu.vector_load %arg5[%parallel_loop3A_652, %parallel_loop3A_653, %parallel_loop3A_654, %parallel_loop3A_655] {strides = array<i32>} : memref<2x8x8x512xi32, #tpu.memory_space<vmem>>, vector<1x1x1x16xi32>,
        %parallel_loop3A_657 = vector.shape_cast %parallel_loop3A_656 : vector<1x1x1x16xi32> to vector<16xi32>
        %parallel_loop3A_658 = vector.shape_cast %parallel_loop3A_602 : vector<16xi32> to vector<1x1x1x16xi32>
        tpu.vector_store %arg5[%parallel_loop3A_652, %parallel_loop3A_653, %parallel_loop3A_654, %parallel_loop3A_655], %parallel_loop3A_658 {strides = array<i32>} : memref<2x8x8x512xi32, #tpu.memory_space<vmem>>, vector<1x1x1x16xi32>,
        %parallel_loop3A_659 = arith.constant 16 : i32
        %parallel_loop3A_660 = arith.muli %parallel_loop3A_109, %parallel_loop3A_659 : i32
        %parallel_loop3A_661 = arith.constant 5 : i32
        %parallel_loop3A_662 = arith.constant 5 : i32
        %parallel_loop3A_663 = arith.index_cast %rem3A_65 : i32 to index
        %parallel_loop3A_664 = arith.index_cast %parallel_loop3A_661 : i32 to index
        %parallel_loop3A_665 = arith.index_cast %parallel_loop3A_662 : i32 to index
        %parallel_loop3A_666 = arith.index_cast %parallel_loop3A_660 : i32 to index
        %parallel_loop3A_667 = tpu.vector_load %arg5[%parallel_loop3A_663, %parallel_loop3A_664, %parallel_loop3A_665, %parallel_loop3A_666] {strides = array<i32>} : memref<2x8x8x512xi32, #tpu.memory_space<vmem>>, vector<1x1x1x16xi32>,
        %parallel_loop3A_668 = vector.shape_cast %parallel_loop3A_667 : vector<1x1x1x16xi32> to vector<16xi32>
        %parallel_loop3A_669 = vector.shape_cast %parallel_loop3A_602 : vector<16xi32> to vector<1x1x1x16xi32>
        tpu.vector_store %arg5[%parallel_loop3A_663, %parallel_loop3A_664, %parallel_loop3A_665, %parallel_loop3A_666], %parallel_loop3A_669 {strides = array<i32>} : memref<2x8x8x512xi32, #tpu.memory_space<vmem>>, vector<1x1x1x16xi32>,
        %parallel_loop3A_670 = arith.constant 16 : i32
        %parallel_loop3A_671 = arith.muli %parallel_loop3A_109, %parallel_loop3A_670 : i32
        %parallel_loop3A_672 = arith.constant 5 : i32
        %parallel_loop3A_673 = arith.constant 6 : i32
        %parallel_loop3A_674 = arith.index_cast %rem3A_65 : i32 to index
        %parallel_loop3A_675 = arith.index_cast %parallel_loop3A_672 : i32 to index
        %parallel_loop3A_676 = arith.index_cast %parallel_loop3A_673 : i32 to index
        %parallel_loop3A_677 = arith.index_cast %parallel_loop3A_671 : i32 to index
        %parallel_loop3A_678 = tpu.vector_load %arg5[%parallel_loop3A_674, %parallel_loop3A_675, %parallel_loop3A_676, %parallel_loop3A_677] {strides = array<i32>} : memref<2x8x8x512xi32, #tpu.memory_space<vmem>>, vector<1x1x1x16xi32>,
        %parallel_loop3A_679 = vector.shape_cast %parallel_loop3A_678 : vector<1x1x1x16xi32> to vector<16xi32>
        %parallel_loop3A_680 = vector.shape_cast %parallel_loop3A_602 : vector<16xi32> to vector<1x1x1x16xi32>
        tpu.vector_store %arg5[%parallel_loop3A_674, %parallel_loop3A_675, %parallel_loop3A_676, %parallel_loop3A_677], %parallel_loop3A_680 {strides = array<i32>} : memref<2x8x8x512xi32, #tpu.memory_space<vmem>>, vector<1x1x1x16xi32>,
        %parallel_loop3A_681 = arith.constant 16 : i32
        %parallel_loop3A_682 = arith.muli %parallel_loop3A_109, %parallel_loop3A_681 : i32
        %parallel_loop3A_683 = arith.constant 5 : i32
        %parallel_loop3A_684 = arith.constant 7 : i32
        %parallel_loop3A_685 = arith.index_cast %rem3A_65 : i32 to index
        %parallel_loop3A_686 = arith.index_cast %parallel_loop3A_683 : i32 to index
        %parallel_loop3A_687 = arith.index_cast %parallel_loop3A_684 : i32 to index
        %parallel_loop3A_688 = arith.index_cast %parallel_loop3A_682 : i32 to index
        %parallel_loop3A_689 = tpu.vector_load %arg5[%parallel_loop3A_685, %parallel_loop3A_686, %parallel_loop3A_687, %parallel_loop3A_688] {strides = array<i32>} : memref<2x8x8x512xi32, #tpu.memory_space<vmem>>, vector<1x1x1x16xi32>,
        %parallel_loop3A_690 = vector.shape_cast %parallel_loop3A_689 : vector<1x1x1x16xi32> to vector<16xi32>
        %parallel_loop3A_691 = vector.shape_cast %parallel_loop3A_602 : vector<16xi32> to vector<1x1x1x16xi32>
        tpu.vector_store %arg5[%parallel_loop3A_685, %parallel_loop3A_686, %parallel_loop3A_687, %parallel_loop3A_688], %parallel_loop3A_691 {strides = array<i32>} : memref<2x8x8x512xi32, #tpu.memory_space<vmem>>, vector<1x1x1x16xi32>,
        %parallel_loop3A_692 = arith.constant 16 : i32
        %parallel_loop3A_693 = arith.muli %parallel_loop3A_109, %parallel_loop3A_692 : i32
        %parallel_loop3A_694 = arith.constant 6 : i32
        %parallel_loop3A_695 = arith.index_cast %rem3A_65 : i32 to index
        %parallel_loop3A_696 = arith.index_cast %parallel_loop3A_694 : i32 to index
        %parallel_loop3A_697 = arith.index_cast %parallel_loop3A_693 : i32 to index
        %parallel_loop3A_698 = tpu.vector_load %arg4[%parallel_loop3A_695, %parallel_loop3A_696, %parallel_loop3A_697] {strides = array<i32>} : memref<2x8x512xi32, #tpu.memory_space<vmem>>, vector<1x1x16xi32>,
        %parallel_loop3A_699 = vector.shape_cast %parallel_loop3A_698 : vector<1x1x16xi32> to vector<16xi32>
        %parallel_loop3A_700 = arith.sitofp %parallel_loop3A_699 : vector<16xi32> to vector<16xf32>
        %parallel_loop3A_701 = arith.constant 16 : i32
        %parallel_loop3A_702 = arith.muli %parallel_loop3A_109, %parallel_loop3A_701 : i32
        %parallel_loop3A_703 = arith.constant 6 : i32
        %parallel_loop3A_704 = arith.constant 0 : i32
        %parallel_loop3A_705 = arith.index_cast %rem3A_65 : i32 to index
        %parallel_loop3A_706 = arith.index_cast %parallel_loop3A_703 : i32 to index
        %parallel_loop3A_707 = arith.index_cast %parallel_loop3A_704 : i32 to index
        %parallel_loop3A_708 = arith.index_cast %parallel_loop3A_702 : i32 to index
        %parallel_loop3A_709 = tpu.vector_load %arg5[%parallel_loop3A_705, %parallel_loop3A_706, %parallel_loop3A_707, %parallel_loop3A_708] {strides = array<i32>} : memref<2x8x8x512xi32, #tpu.memory_space<vmem>>, vector<1x1x1x16xi32>,
        %parallel_loop3A_710 = vector.shape_cast %parallel_loop3A_709 : vector<1x1x1x16xi32> to vector<16xi32>
        %parallel_loop3A_711 = vector.shape_cast %parallel_loop3A_699 : vector<16xi32> to vector<1x1x1x16xi32>
        tpu.vector_store %arg5[%parallel_loop3A_705, %parallel_loop3A_706, %parallel_loop3A_707, %parallel_loop3A_708], %parallel_loop3A_711 {strides = array<i32>} : memref<2x8x8x512xi32, #tpu.memory_space<vmem>>, vector<1x1x1x16xi32>,
        %parallel_loop3A_712 = arith.constant 16 : i32
        %parallel_loop3A_713 = arith.muli %parallel_loop3A_109, %parallel_loop3A_712 : i32
        %parallel_loop3A_714 = arith.constant 6 : i32
        %parallel_loop3A_715 = arith.constant 1 : i32
        %parallel_loop3A_716 = arith.index_cast %rem3A_65 : i32 to index
        %parallel_loop3A_717 = arith.index_cast %parallel_loop3A_714 : i32 to index
        %parallel_loop3A_718 = arith.index_cast %parallel_loop3A_715 : i32 to index
        %parallel_loop3A_719 = arith.index_cast %parallel_loop3A_713 : i32 to index
        %parallel_loop3A_720 = tpu.vector_load %arg5[%parallel_loop3A_716, %parallel_loop3A_717, %parallel_loop3A_718, %parallel_loop3A_719] {strides = array<i32>} : memref<2x8x8x512xi32, #tpu.memory_space<vmem>>, vector<1x1x1x16xi32>,
        %parallel_loop3A_721 = vector.shape_cast %parallel_loop3A_720 : vector<1x1x1x16xi32> to vector<16xi32>
        %parallel_loop3A_722 = vector.shape_cast %parallel_loop3A_699 : vector<16xi32> to vector<1x1x1x16xi32>
        tpu.vector_store %arg5[%parallel_loop3A_716, %parallel_loop3A_717, %parallel_loop3A_718, %parallel_loop3A_719], %parallel_loop3A_722 {strides = array<i32>} : memref<2x8x8x512xi32, #tpu.memory_space<vmem>>, vector<1x1x1x16xi32>,
        %parallel_loop3A_723 = arith.constant 16 : i32
        %parallel_loop3A_724 = arith.muli %parallel_loop3A_109, %parallel_loop3A_723 : i32
        %parallel_loop3A_725 = arith.constant 6 : i32
        %parallel_loop3A_726 = arith.constant 2 : i32
        %parallel_loop3A_727 = arith.index_cast %rem3A_65 : i32 to index
        %parallel_loop3A_728 = arith.index_cast %parallel_loop3A_725 : i32 to index
        %parallel_loop3A_729 = arith.index_cast %parallel_loop3A_726 : i32 to index
        %parallel_loop3A_730 = arith.index_cast %parallel_loop3A_724 : i32 to index
        %parallel_loop3A_731 = tpu.vector_load %arg5[%parallel_loop3A_727, %parallel_loop3A_728, %parallel_loop3A_729, %parallel_loop3A_730] {strides = array<i32>} : memref<2x8x8x512xi32, #tpu.memory_space<vmem>>, vector<1x1x1x16xi32>,
        %parallel_loop3A_732 = vector.shape_cast %parallel_loop3A_731 : vector<1x1x1x16xi32> to vector<16xi32>
        %parallel_loop3A_733 = vector.shape_cast %parallel_loop3A_699 : vector<16xi32> to vector<1x1x1x16xi32>
        tpu.vector_store %arg5[%parallel_loop3A_727, %parallel_loop3A_728, %parallel_loop3A_729, %parallel_loop3A_730], %parallel_loop3A_733 {strides = array<i32>} : memref<2x8x8x512xi32, #tpu.memory_space<vmem>>, vector<1x1x1x16xi32>,
        %parallel_loop3A_734 = arith.constant 16 : i32
        %parallel_loop3A_735 = arith.muli %parallel_loop3A_109, %parallel_loop3A_734 : i32
        %parallel_loop3A_736 = arith.constant 6 : i32
        %parallel_loop3A_737 = arith.constant 3 : i32
        %parallel_loop3A_738 = arith.index_cast %rem3A_65 : i32 to index
        %parallel_loop3A_739 = arith.index_cast %parallel_loop3A_736 : i32 to index
        %parallel_loop3A_740 = arith.index_cast %parallel_loop3A_737 : i32 to index
        %parallel_loop3A_741 = arith.index_cast %parallel_loop3A_735 : i32 to index
        %parallel_loop3A_742 = tpu.vector_load %arg5[%parallel_loop3A_738, %parallel_loop3A_739, %parallel_loop3A_740, %parallel_loop3A_741] {strides = array<i32>} : memref<2x8x8x512xi32, #tpu.memory_space<vmem>>, vector<1x1x1x16xi32>,
        %parallel_loop3A_743 = vector.shape_cast %parallel_loop3A_742 : vector<1x1x1x16xi32> to vector<16xi32>
        %parallel_loop3A_744 = vector.shape_cast %parallel_loop3A_699 : vector<16xi32> to vector<1x1x1x16xi32>
        tpu.vector_store %arg5[%parallel_loop3A_738, %parallel_loop3A_739, %parallel_loop3A_740, %parallel_loop3A_741], %parallel_loop3A_744 {strides = array<i32>} : memref<2x8x8x512xi32, #tpu.memory_space<vmem>>, vector<1x1x1x16xi32>,
        %parallel_loop3A_745 = arith.constant 16 : i32
        %parallel_loop3A_746 = arith.muli %parallel_loop3A_109, %parallel_loop3A_745 : i32
        %parallel_loop3A_747 = arith.constant 6 : i32
        %parallel_loop3A_748 = arith.constant 4 : i32
        %parallel_loop3A_749 = arith.index_cast %rem3A_65 : i32 to index
        %parallel_loop3A_750 = arith.index_cast %parallel_loop3A_747 : i32 to index
        %parallel_loop3A_751 = arith.index_cast %parallel_loop3A_748 : i32 to index
        %parallel_loop3A_752 = arith.index_cast %parallel_loop3A_746 : i32 to index
        %parallel_loop3A_753 = tpu.vector_load %arg5[%parallel_loop3A_749, %parallel_loop3A_750, %parallel_loop3A_751, %parallel_loop3A_752] {strides = array<i32>} : memref<2x8x8x512xi32, #tpu.memory_space<vmem>>, vector<1x1x1x16xi32>,
        %parallel_loop3A_754 = vector.shape_cast %parallel_loop3A_753 : vector<1x1x1x16xi32> to vector<16xi32>
        %parallel_loop3A_755 = vector.shape_cast %parallel_loop3A_699 : vector<16xi32> to vector<1x1x1x16xi32>
        tpu.vector_store %arg5[%parallel_loop3A_749, %parallel_loop3A_750, %parallel_loop3A_751, %parallel_loop3A_752], %parallel_loop3A_755 {strides = array<i32>} : memref<2x8x8x512xi32, #tpu.memory_space<vmem>>, vector<1x1x1x16xi32>,
        %parallel_loop3A_756 = arith.constant 16 : i32
        %parallel_loop3A_757 = arith.muli %parallel_loop3A_109, %parallel_loop3A_756 : i32
        %parallel_loop3A_758 = arith.constant 6 : i32
        %parallel_loop3A_759 = arith.constant 5 : i32
        %parallel_loop3A_760 = arith.index_cast %rem3A_65 : i32 to index
        %parallel_loop3A_761 = arith.index_cast %parallel_loop3A_758 : i32 to index
        %parallel_loop3A_762 = arith.index_cast %parallel_loop3A_759 : i32 to index
        %parallel_loop3A_763 = arith.index_cast %parallel_loop3A_757 : i32 to index
        %parallel_loop3A_764 = tpu.vector_load %arg5[%parallel_loop3A_760, %parallel_loop3A_761, %parallel_loop3A_762, %parallel_loop3A_763] {strides = array<i32>} : memref<2x8x8x512xi32, #tpu.memory_space<vmem>>, vector<1x1x1x16xi32>,
        %parallel_loop3A_765 = vector.shape_cast %parallel_loop3A_764 : vector<1x1x1x16xi32> to vector<16xi32>
        %parallel_loop3A_766 = vector.shape_cast %parallel_loop3A_699 : vector<16xi32> to vector<1x1x1x16xi32>
        tpu.vector_store %arg5[%parallel_loop3A_760, %parallel_loop3A_761, %parallel_loop3A_762, %parallel_loop3A_763], %parallel_loop3A_766 {strides = array<i32>} : memref<2x8x8x512xi32, #tpu.memory_space<vmem>>, vector<1x1x1x16xi32>,
        %parallel_loop3A_767 = arith.constant 16 : i32
        %parallel_loop3A_768 = arith.muli %parallel_loop3A_109, %parallel_loop3A_767 : i32
        %parallel_loop3A_769 = arith.constant 6 : i32
        %parallel_loop3A_770 = arith.constant 6 : i32
        %parallel_loop3A_771 = arith.index_cast %rem3A_65 : i32 to index
        %parallel_loop3A_772 = arith.index_cast %parallel_loop3A_769 : i32 to index
        %parallel_loop3A_773 = arith.index_cast %parallel_loop3A_770 : i32 to index
        %parallel_loop3A_774 = arith.index_cast %parallel_loop3A_768 : i32 to index
        %parallel_loop3A_775 = tpu.vector_load %arg5[%parallel_loop3A_771, %parallel_loop3A_772, %parallel_loop3A_773, %parallel_loop3A_774] {strides = array<i32>} : memref<2x8x8x512xi32, #tpu.memory_space<vmem>>, vector<1x1x1x16xi32>,
        %parallel_loop3A_776 = vector.shape_cast %parallel_loop3A_775 : vector<1x1x1x16xi32> to vector<16xi32>
        %parallel_loop3A_777 = vector.shape_cast %parallel_loop3A_699 : vector<16xi32> to vector<1x1x1x16xi32>
        tpu.vector_store %arg5[%parallel_loop3A_771, %parallel_loop3A_772, %parallel_loop3A_773, %parallel_loop3A_774], %parallel_loop3A_777 {strides = array<i32>} : memref<2x8x8x512xi32, #tpu.memory_space<vmem>>, vector<1x1x1x16xi32>,
        %parallel_loop3A_778 = arith.constant 16 : i32
        %parallel_loop3A_779 = arith.muli %parallel_loop3A_109, %parallel_loop3A_778 : i32
        %parallel_loop3A_780 = arith.constant 6 : i32
        %parallel_loop3A_781 = arith.constant 7 : i32
        %parallel_loop3A_782 = arith.index_cast %rem3A_65 : i32 to index
        %parallel_loop3A_783 = arith.index_cast %parallel_loop3A_780 : i32 to index
        %parallel_loop3A_784 = arith.index_cast %parallel_loop3A_781 : i32 to index
        %parallel_loop3A_785 = arith.index_cast %parallel_loop3A_779 : i32 to index
        %parallel_loop3A_786 = tpu.vector_load %arg5[%parallel_loop3A_782, %parallel_loop3A_783, %parallel_loop3A_784, %parallel_loop3A_785] {strides = array<i32>} : memref<2x8x8x512xi32, #tpu.memory_space<vmem>>, vector<1x1x1x16xi32>,
        %parallel_loop3A_787 = vector.shape_cast %parallel_loop3A_786 : vector<1x1x1x16xi32> to vector<16xi32>
        %parallel_loop3A_788 = vector.shape_cast %parallel_loop3A_699 : vector<16xi32> to vector<1x1x1x16xi32>
        tpu.vector_store %arg5[%parallel_loop3A_782, %parallel_loop3A_783, %parallel_loop3A_784, %parallel_loop3A_785], %parallel_loop3A_788 {strides = array<i32>} : memref<2x8x8x512xi32, #tpu.memory_space<vmem>>, vector<1x1x1x16xi32>,
        %parallel_loop3A_789 = arith.constant 16 : i32
        %parallel_loop3A_790 = arith.muli %parallel_loop3A_109, %parallel_loop3A_789 : i32
        %parallel_loop3A_791 = arith.constant 7 : i32
        %parallel_loop3A_792 = arith.index_cast %rem3A_65 : i32 to index
        %parallel_loop3A_793 = arith.index_cast %parallel_loop3A_791 : i32 to index
        %parallel_loop3A_794 = arith.index_cast %parallel_loop3A_790 : i32 to index
        %parallel_loop3A_795 = tpu.vector_load %arg4[%parallel_loop3A_792, %parallel_loop3A_793, %parallel_loop3A_794] {strides = array<i32>} : memref<2x8x512xi32, #tpu.memory_space<vmem>>, vector<1x1x16xi32>,
        %parallel_loop3A_796 = vector.shape_cast %parallel_loop3A_795 : vector<1x1x16xi32> to vector<16xi32>
        %parallel_loop3A_797 = arith.sitofp %parallel_loop3A_796 : vector<16xi32> to vector<16xf32>
        %parallel_loop3A_798 = arith.constant 16 : i32
        %parallel_loop3A_799 = arith.muli %parallel_loop3A_109, %parallel_loop3A_798 : i32
        %parallel_loop3A_800 = arith.constant 7 : i32
        %parallel_loop3A_801 = arith.constant 0 : i32
        %parallel_loop3A_802 = arith.index_cast %rem3A_65 : i32 to index
        %parallel_loop3A_803 = arith.index_cast %parallel_loop3A_800 : i32 to index
        %parallel_loop3A_804 = arith.index_cast %parallel_loop3A_801 : i32 to index
        %parallel_loop3A_805 = arith.index_cast %parallel_loop3A_799 : i32 to index
        %parallel_loop3A_806 = tpu.vector_load %arg5[%parallel_loop3A_802, %parallel_loop3A_803, %parallel_loop3A_804, %parallel_loop3A_805] {strides = array<i32>} : memref<2x8x8x512xi32, #tpu.memory_space<vmem>>, vector<1x1x1x16xi32>,
        %parallel_loop3A_807 = vector.shape_cast %parallel_loop3A_806 : vector<1x1x1x16xi32> to vector<16xi32>
        %parallel_loop3A_808 = vector.shape_cast %parallel_loop3A_796 : vector<16xi32> to vector<1x1x1x16xi32>
        tpu.vector_store %arg5[%parallel_loop3A_802, %parallel_loop3A_803, %parallel_loop3A_804, %parallel_loop3A_805], %parallel_loop3A_808 {strides = array<i32>} : memref<2x8x8x512xi32, #tpu.memory_space<vmem>>, vector<1x1x1x16xi32>,
        %parallel_loop3A_809 = arith.constant 16 : i32
        %parallel_loop3A_810 = arith.muli %parallel_loop3A_109, %parallel_loop3A_809 : i32
        %parallel_loop3A_811 = arith.constant 7 : i32
        %parallel_loop3A_812 = arith.constant 1 : i32
        %parallel_loop3A_813 = arith.index_cast %rem3A_65 : i32 to index
        %parallel_loop3A_814 = arith.index_cast %parallel_loop3A_811 : i32 to index
        %parallel_loop3A_815 = arith.index_cast %parallel_loop3A_812 : i32 to index
        %parallel_loop3A_816 = arith.index_cast %parallel_loop3A_810 : i32 to index
        %parallel_loop3A_817 = tpu.vector_load %arg5[%parallel_loop3A_813, %parallel_loop3A_814, %parallel_loop3A_815, %parallel_loop3A_816] {strides = array<i32>} : memref<2x8x8x512xi32, #tpu.memory_space<vmem>>, vector<1x1x1x16xi32>,
        %parallel_loop3A_818 = vector.shape_cast %parallel_loop3A_817 : vector<1x1x1x16xi32> to vector<16xi32>
        %parallel_loop3A_819 = vector.shape_cast %parallel_loop3A_796 : vector<16xi32> to vector<1x1x1x16xi32>
        tpu.vector_store %arg5[%parallel_loop3A_813, %parallel_loop3A_814, %parallel_loop3A_815, %parallel_loop3A_816], %parallel_loop3A_819 {strides = array<i32>} : memref<2x8x8x512xi32, #tpu.memory_space<vmem>>, vector<1x1x1x16xi32>,
        %parallel_loop3A_820 = arith.constant 16 : i32
        %parallel_loop3A_821 = arith.muli %parallel_loop3A_109, %parallel_loop3A_820 : i32
        %parallel_loop3A_822 = arith.constant 7 : i32
        %parallel_loop3A_823 = arith.constant 2 : i32
        %parallel_loop3A_824 = arith.index_cast %rem3A_65 : i32 to index
        %parallel_loop3A_825 = arith.index_cast %parallel_loop3A_822 : i32 to index
        %parallel_loop3A_826 = arith.index_cast %parallel_loop3A_823 : i32 to index
        %parallel_loop3A_827 = arith.index_cast %parallel_loop3A_821 : i32 to index
        %parallel_loop3A_828 = tpu.vector_load %arg5[%parallel_loop3A_824, %parallel_loop3A_825, %parallel_loop3A_826, %parallel_loop3A_827] {strides = array<i32>} : memref<2x8x8x512xi32, #tpu.memory_space<vmem>>, vector<1x1x1x16xi32>,
        %parallel_loop3A_829 = vector.shape_cast %parallel_loop3A_828 : vector<1x1x1x16xi32> to vector<16xi32>
        %parallel_loop3A_830 = vector.shape_cast %parallel_loop3A_796 : vector<16xi32> to vector<1x1x1x16xi32>
        tpu.vector_store %arg5[%parallel_loop3A_824, %parallel_loop3A_825, %parallel_loop3A_826, %parallel_loop3A_827], %parallel_loop3A_830 {strides = array<i32>} : memref<2x8x8x512xi32, #tpu.memory_space<vmem>>, vector<1x1x1x16xi32>,
        %parallel_loop3A_831 = arith.constant 16 : i32
        %parallel_loop3A_832 = arith.muli %parallel_loop3A_109, %parallel_loop3A_831 : i32
        %parallel_loop3A_833 = arith.constant 7 : i32
        %parallel_loop3A_834 = arith.constant 3 : i32
        %parallel_loop3A_835 = arith.index_cast %rem3A_65 : i32 to index
        %parallel_loop3A_836 = arith.index_cast %parallel_loop3A_833 : i32 to index
        %parallel_loop3A_837 = arith.index_cast %parallel_loop3A_834 : i32 to index
        %parallel_loop3A_838 = arith.index_cast %parallel_loop3A_832 : i32 to index
        %parallel_loop3A_839 = tpu.vector_load %arg5[%parallel_loop3A_835, %parallel_loop3A_836, %parallel_loop3A_837, %parallel_loop3A_838] {strides = array<i32>} : memref<2x8x8x512xi32, #tpu.memory_space<vmem>>, vector<1x1x1x16xi32>,
        %parallel_loop3A_840 = vector.shape_cast %parallel_loop3A_839 : vector<1x1x1x16xi32> to vector<16xi32>
        %parallel_loop3A_841 = vector.shape_cast %parallel_loop3A_796 : vector<16xi32> to vector<1x1x1x16xi32>
        tpu.vector_store %arg5[%parallel_loop3A_835, %parallel_loop3A_836, %parallel_loop3A_837, %parallel_loop3A_838], %parallel_loop3A_841 {strides = array<i32>} : memref<2x8x8x512xi32, #tpu.memory_space<vmem>>, vector<1x1x1x16xi32>,
        %parallel_loop3A_842 = arith.constant 16 : i32
        %parallel_loop3A_843 = arith.muli %parallel_loop3A_109, %parallel_loop3A_842 : i32
        %parallel_loop3A_844 = arith.constant 7 : i32
        %parallel_loop3A_845 = arith.constant 4 : i32
        %parallel_loop3A_846 = arith.index_cast %rem3A_65 : i32 to index
        %parallel_loop3A_847 = arith.index_cast %parallel_loop3A_844 : i32 to index
        %parallel_loop3A_848 = arith.index_cast %parallel_loop3A_845 : i32 to index
        %parallel_loop3A_849 = arith.index_cast %parallel_loop3A_843 : i32 to index
        %parallel_loop3A_850 = tpu.vector_load %arg5[%parallel_loop3A_846, %parallel_loop3A_847, %parallel_loop3A_848, %parallel_loop3A_849] {strides = array<i32>} : memref<2x8x8x512xi32, #tpu.memory_space<vmem>>, vector<1x1x1x16xi32>,
        %parallel_loop3A_851 = vector.shape_cast %parallel_loop3A_850 : vector<1x1x1x16xi32> to vector<16xi32>
        %parallel_loop3A_852 = vector.shape_cast %parallel_loop3A_796 : vector<16xi32> to vector<1x1x1x16xi32>
        tpu.vector_store %arg5[%parallel_loop3A_846, %parallel_loop3A_847, %parallel_loop3A_848, %parallel_loop3A_849], %parallel_loop3A_852 {strides = array<i32>} : memref<2x8x8x512xi32, #tpu.memory_space<vmem>>, vector<1x1x1x16xi32>,
        %parallel_loop3A_853 = arith.constant 16 : i32
        %parallel_loop3A_854 = arith.muli %parallel_loop3A_109, %parallel_loop3A_853 : i32
        %parallel_loop3A_855 = arith.constant 7 : i32
        %parallel_loop3A_856 = arith.constant 5 : i32
        %parallel_loop3A_857 = arith.index_cast %rem3A_65 : i32 to index
        %parallel_loop3A_858 = arith.index_cast %parallel_loop3A_855 : i32 to index
        %parallel_loop3A_859 = arith.index_cast %parallel_loop3A_856 : i32 to index
        %parallel_loop3A_860 = arith.index_cast %parallel_loop3A_854 : i32 to index
        %parallel_loop3A_861 = tpu.vector_load %arg5[%parallel_loop3A_857, %parallel_loop3A_858, %parallel_loop3A_859, %parallel_loop3A_860] {strides = array<i32>} : memref<2x8x8x512xi32, #tpu.memory_space<vmem>>, vector<1x1x1x16xi32>,
        %parallel_loop3A_862 = vector.shape_cast %parallel_loop3A_861 : vector<1x1x1x16xi32> to vector<16xi32>
        %parallel_loop3A_863 = vector.shape_cast %parallel_loop3A_796 : vector<16xi32> to vector<1x1x1x16xi32>
        tpu.vector_store %arg5[%parallel_loop3A_857, %parallel_loop3A_858, %parallel_loop3A_859, %parallel_loop3A_860], %parallel_loop3A_863 {strides = array<i32>} : memref<2x8x8x512xi32, #tpu.memory_space<vmem>>, vector<1x1x1x16xi32>,
        %parallel_loop3A_864 = arith.constant 16 : i32
        %parallel_loop3A_865 = arith.muli %parallel_loop3A_109, %parallel_loop3A_864 : i32
        %parallel_loop3A_866 = arith.constant 7 : i32
        %parallel_loop3A_867 = arith.constant 6 : i32
        %parallel_loop3A_868 = arith.index_cast %rem3A_65 : i32 to index
        %parallel_loop3A_869 = arith.index_cast %parallel_loop3A_866 : i32 to index
        %parallel_loop3A_870 = arith.index_cast %parallel_loop3A_867 : i32 to index
        %parallel_loop3A_871 = arith.index_cast %parallel_loop3A_865 : i32 to index
        %parallel_loop3A_872 = tpu.vector_load %arg5[%parallel_loop3A_868, %parallel_loop3A_869, %parallel_loop3A_870, %parallel_loop3A_871] {strides = array<i32>} : memref<2x8x8x512xi32, #tpu.memory_space<vmem>>, vector<1x1x1x16xi32>,
        %parallel_loop3A_873 = vector.shape_cast %parallel_loop3A_872 : vector<1x1x1x16xi32> to vector<16xi32>
        %parallel_loop3A_874 = vector.shape_cast %parallel_loop3A_796 : vector<16xi32> to vector<1x1x1x16xi32>
        tpu.vector_store %arg5[%parallel_loop3A_868, %parallel_loop3A_869, %parallel_loop3A_870, %parallel_loop3A_871], %parallel_loop3A_874 {strides = array<i32>} : memref<2x8x8x512xi32, #tpu.memory_space<vmem>>, vector<1x1x1x16xi32>,
        %parallel_loop3A_875 = arith.constant 16 : i32
        %parallel_loop3A_876 = arith.muli %parallel_loop3A_109, %parallel_loop3A_875 : i32
        %parallel_loop3A_877 = arith.constant 7 : i32
        %parallel_loop3A_878 = arith.constant 7 : i32
        %parallel_loop3A_879 = arith.index_cast %rem3A_65 : i32 to index
        %parallel_loop3A_880 = arith.index_cast %parallel_loop3A_877 : i32 to index
        %parallel_loop3A_881 = arith.index_cast %parallel_loop3A_878 : i32 to index
        %parallel_loop3A_882 = arith.index_cast %parallel_loop3A_876 : i32 to index
        %parallel_loop3A_883 = tpu.vector_load %arg5[%parallel_loop3A_879, %parallel_loop3A_880, %parallel_loop3A_881, %parallel_loop3A_882] {strides = array<i32>} : memref<2x8x8x512xi32, #tpu.memory_space<vmem>>, vector<1x1x1x16xi32>,
        %parallel_loop3A_884 = vector.shape_cast %parallel_loop3A_883 : vector<1x1x1x16xi32> to vector<16xi32>
        %parallel_loop3A_885 = vector.shape_cast %parallel_loop3A_796 : vector<16xi32> to vector<1x1x1x16xi32>
        tpu.vector_store %arg5[%parallel_loop3A_879, %parallel_loop3A_880, %parallel_loop3A_881, %parallel_loop3A_882], %parallel_loop3A_885 {strides = array<i32>} : memref<2x8x8x512xi32, #tpu.memory_space<vmem>>, vector<1x1x1x16xi32>,
      } {sc.loop_unroll_factor = 8 : i64, sc.parallel_access}
      %mul3A_91 = arith.constant 8 : i32
      %mul3A_92 = arith.muli %scan3A_63, %mul3A_91 : i32
      %dma_start3A_93 = arith.constant 0 : i32
      %dma_start3A_94 = arith.constant 0 : i32
      %dma_start3A_95 = arith.constant 0 : i32
      %dma_start3A_96 = tpu.memref_slice %arg5[%rem3A_65, %dma_start3A_93, %dma_start3A_94, %dma_start3A_95] : memref<2x8x8x512xi32, #tpu.memory_space<vmem>> -> memref<1x8x8x512xi32, #tpu.memory_space<vmem>>
      %dma_start3A_97 = tpu.memref_squeeze %dma_start3A_96 : memref<1x8x8x512xi32, #tpu.memory_space<vmem>> -> memref<8x8x512xi32, #tpu.memory_space<vmem>>
      %dma_start3A_98 = arith.constant 0 : i32
      %dma_start3A_99 = tpu.memref_slice %arg3[%mul3A_92, %dma_start3A_98, %mul3A_2] : memref<200x8x16384xi32, #tpu.memory_space<hbm>> -> memref<8x8x512xi32, #tpu.memory_space<hbm>>
      %dma_start3A_100 = tpu.memref_slice %arg7[%rem3A_65] : memref<2x!tpu.dma_semaphore, #tpu.memory_space<semaphore_mem>> -> memref<1x!tpu.dma_semaphore, #tpu.memory_space<semaphore_mem>>
      %dma_start3A_101 = tpu.memref_squeeze %dma_start3A_100 : memref<1x!tpu.dma_semaphore, #tpu.memory_space<semaphore_mem>> -> memref<!tpu.dma_semaphore, #tpu.memory_space<semaphore_mem>>
      %dma_start3A_102 = arith.constant 0 : i32
      %dma_start3A_103 = tpu.memref_slice %arg3[%mul3A_92, %dma_start3A_102, %mul3A_2] : memref<200x8x16384xi32, #tpu.memory_space<hbm>> -> memref<8x8x512xi32, #tpu.memory_space<hbm>>
      %dma_start3A_104 = arith.constant 0 : i32
      %dma_start3A_105 = arith.constant 0 : i32
      %dma_start3A_106 = arith.constant 0 : i32
      %dma_start3A_107 = tpu.memref_slice %arg5[%rem3A_65, %dma_start3A_104, %dma_start3A_105, %dma_start3A_106] : memref<2x8x8x512xi32, #tpu.memory_space<vmem>> -> memref<1x8x8x512xi32, #tpu.memory_space<vmem>>
      %dma_start3A_108 = tpu.memref_squeeze %dma_start3A_107 : memref<1x8x8x512xi32, #tpu.memory_space<vmem>> -> memref<8x8x512xi32, #tpu.memory_space<vmem>>
      tpu.enqueue_dma source(%dma_start3A_108 : memref<8x8x512xi32, #tpu.memory_space<vmem>>) target(%dma_start3A_103 : memref<8x8x512xi32, #tpu.memory_space<hbm>>) target_semaphore(%dma_start3A_101 : memref<!tpu.dma_semaphore, #tpu.memory_space<semaphore_mem>>)
    }
    %scan3A_22 = arith.constant 25 : i32
    %rem3A = arith.constant 23 : i32
    %rem3A_23 = arith.constant 2 : i32
    %rem3A_24 = arith.remsi %rem3A, %rem3A_23 : i32
    %dma_wait3A = arith.constant 0 : i32
    %dma_wait3A_25 = arith.constant 0 : i32
    %dma_wait3A_26 = arith.constant 0 : i32
    %dma_wait3A_27 = tpu.memref_slice %arg5[%rem3A_24, %dma_wait3A, %dma_wait3A_25, %dma_wait3A_26] : memref<2x8x8x512xi32, #tpu.memory_space<vmem>> -> memref<1x8x8x512xi32, #tpu.memory_space<vmem>>
    %dma_wait3A_28 = tpu.memref_squeeze %dma_wait3A_27 : memref<1x8x8x512xi32, #tpu.memory_space<vmem>> -> memref<8x8x512xi32, #tpu.memory_space<vmem>>
    %dma_wait3A_29 = arith.constant 184 : i32
    %dma_wait3A_30 = arith.constant 0 : i32
    %dma_wait3A_31 = tpu.memref_slice %arg3[%dma_wait3A_29, %dma_wait3A_30, %mul3A_2] : memref<200x8x16384xi32, #tpu.memory_space<hbm>> -> memref<8x8x512xi32, #tpu.memory_space<hbm>>
    %dma_wait3A_32 = tpu.memref_slice %arg7[%rem3A_24] : memref<2x!tpu.dma_semaphore, #tpu.memory_space<semaphore_mem>> -> memref<1x!tpu.dma_semaphore, #tpu.memory_space<semaphore_mem>>
    %dma_wait3A_33 = tpu.memref_squeeze %dma_wait3A_32 : memref<1x!tpu.dma_semaphore, #tpu.memory_space<semaphore_mem>> -> memref<!tpu.dma_semaphore, #tpu.memory_space<semaphore_mem>>
    %dma_wait3A_34 = arith.constant 184 : i32
    %dma_wait3A_35 = arith.constant 0 : i32
    %dma_wait3A_36 = tpu.memref_slice %arg3[%dma_wait3A_34, %dma_wait3A_35, %mul3A_2] : memref<200x8x16384xi32, #tpu.memory_space<hbm>> -> memref<8x8x512xi32, #tpu.memory_space<hbm>>
    %dma_wait3A_37 = arith.constant 0 : i32
    %dma_wait3A_38 = arith.constant 0 : i32
    %dma_wait3A_39 = arith.constant 0 : i32
    %dma_wait3A_40 = tpu.memref_slice %arg5[%rem3A_24, %dma_wait3A_37, %dma_wait3A_38, %dma_wait3A_39] : memref<2x8x8x512xi32, #tpu.memory_space<vmem>> -> memref<1x8x8x512xi32, #tpu.memory_space<vmem>>
    %dma_wait3A_41 = tpu.memref_squeeze %dma_wait3A_40 : memref<1x8x8x512xi32, #tpu.memory_space<vmem>> -> memref<8x8x512xi32, #tpu.memory_space<vmem>>
    tpu.wait_dma2 semaphore(%dma_wait3A_33 : memref<!tpu.dma_semaphore, #tpu.memory_space<semaphore_mem>>) src(%dma_wait3A_41 : memref<8x8x512xi32, #tpu.memory_space<vmem>>) dst(%dma_wait3A_36 : memref<8x8x512xi32, #tpu.memory_space<hbm>>)
    %rem3A_42 = arith.constant 24 : i32
    %rem3A_43 = arith.constant 2 : i32
    %rem3A_44 = arith.remsi %rem3A_42, %rem3A_43 : i32
    %dma_wait3A_45 = arith.constant 0 : i32
    %dma_wait3A_46 = arith.constant 0 : i32
    %dma_wait3A_47 = arith.constant 0 : i32
    %dma_wait3A_48 = tpu.memref_slice %arg5[%rem3A_44, %dma_wait3A_45, %dma_wait3A_46, %dma_wait3A_47] : memref<2x8x8x512xi32, #tpu.memory_space<vmem>> -> memref<1x8x8x512xi32, #tpu.memory_space<vmem>>
    %dma_wait3A_49 = tpu.memref_squeeze %dma_wait3A_48 : memref<1x8x8x512xi32, #tpu.memory_space<vmem>> -> memref<8x8x512xi32, #tpu.memory_space<vmem>>
    %dma_wait3A_50 = arith.constant 192 : i32
    %dma_wait3A_51 = arith.constant 0 : i32
    %dma_wait3A_52 = tpu.memref_slice %arg3[%dma_wait3A_50, %dma_wait3A_51, %mul3A_2] : memref<200x8x16384xi32, #tpu.memory_space<hbm>> -> memref<8x8x512xi32, #tpu.memory_space<hbm>>
    %dma_wait3A_53 = tpu.memref_slice %arg7[%rem3A_44] : memref<2x!tpu.dma_semaphore, #tpu.memory_space<semaphore_mem>> -> memref<1x!tpu.dma_semaphore, #tpu.memory_space<semaphore_mem>>
    %dma_wait3A_54 = tpu.memref_squeeze %dma_wait3A_53 : memref<1x!tpu.dma_semaphore, #tpu.memory_space<semaphore_mem>> -> memref<!tpu.dma_semaphore, #tpu.memory_space<semaphore_mem>>
    %dma_wait3A_55 = arith.constant 192 : i32
    %dma_wait3A_56 = arith.constant 0 : i32
    %dma_wait3A_57 = tpu.memref_slice %arg3[%dma_wait3A_55, %dma_wait3A_56, %mul3A_2] : memref<200x8x16384xi32, #tpu.memory_space<hbm>> -> memref<8x8x512xi32, #tpu.memory_space<hbm>>
    %dma_wait3A_58 = arith.constant 0 : i32
    %dma_wait3A_59 = arith.constant 0 : i32
    %dma_wait3A_60 = arith.constant 0 : i32
    %dma_wait3A_61 = tpu.memref_slice %arg5[%rem3A_44, %dma_wait3A_58, %dma_wait3A_59, %dma_wait3A_60] : memref<2x8x8x512xi32, #tpu.memory_space<vmem>> -> memref<1x8x8x512xi32, #tpu.memory_space<vmem>>
    %dma_wait3A_62 = tpu.memref_squeeze %dma_wait3A_61 : memref<1x8x8x512xi32, #tpu.memory_space<vmem>> -> memref<8x8x512xi32, #tpu.memory_space<vmem>>
    tpu.wait_dma2 semaphore(%dma_wait3A_54 : memref<!tpu.dma_semaphore, #tpu.memory_space<semaphore_mem>>) src(%dma_wait3A_62 : memref<8x8x512xi32, #tpu.memory_space<vmem>>) dst(%dma_wait3A_57 : memref<8x8x512xi32, #tpu.memory_space<hbm>>)
    return
  }
}

</mosaic_0001>

<sc_bundles>
// kernel: kernel.3.cloned.1.call-start
scs
__scs_entry_jumppad:
0x0: {  	(pc) =	sbr.rel $0x88, $3  }
0x1: {  	(tag) =	ssettag $0x0;
	lr =	simm.s32 $0x1  }
0x2: {  	[smem:$0x3FA0] =	sst lr;
	_ =	strace $0xD0000000  }
0x3: {  	_ = 	snop  }
0x4: {  	_ = 	snop  }
0x5: {  	_ = 	snop  }
0x6: {  	_ = 	snop  }
0x7: {  	_ = 	snop  }
__scs_overlays_trampoline_lowered:
0x8: {  	[smem:$0x3FAF] =	sst s0  }
0x9: {  	[smem:$0x3FB0] =	sst s1  }
0xa: {  	[smem:$0x3FB1] =	sst s2  }
0xb: {  	[smem:$0x3FB2] =	sst s3  }
0xc: {  	[smem:$0x3FB3] =	sst s4  }
0xd: {  	[smem:$0x3FB4] =	sst s5  }
0xe: {  	[smem:$0x3FB5] =	sst s6  }
0xf: {  	[smem:$0x3FB6] =	sst s7  }
0x10: {  	[smem:$0x3FB7] =	sst s8  }
0x11: {  	[smem:$0x3FB8] =	sst s9;
	s0 =	simm.s32 @!p0 $0x0  }
0x12: {  	s1 =	sld [smem:$0x3F9E];
	s0 =	simm.s32 @p0 $0x1  }
0x13: {  	[smem:$0x3FB9] =	sst s0;
	s0 =	simm.s32 @!p1 $0x0  }
0x14: {  	s2 =	sld [smem:$0x3F9D];
	s0 =	simm.s32 @p1 $0x1  }
0x15: {  	[smem:$0x3FBA] =	sst s0;
	s0 =	simm.s32 @!p2 $0x0  }
0x16: {  	s3 =	sld [smem:$0x3FDB];
	s0 =	simm.s32 @p2 $0x1  }
0x17: {  	s4 =	simm.s32 $0x1BF5;
	[smem:$0x3FBC] =	sst s0  }
0x18: {  	s0 =	sld [smem:$0x3F9F];
	_ =	swait.ge [sflag:s4], $0x0  }
0x19: {  	s7 =	sld [smem:$0x3FA0]  }
0x1a: {  	s8 =	sadd.s32 $0xFFFFE003, lr  }
0x1b: {  	s9 =	sadd.s32 $0xFFFFFEF7, lr;
	s5 =	simm.s32 $0xFFFFFFFF;
	p2 =	slt.u32 s8, $0xFFFFF086  }
0x1c: {  	p1 =	slt.u32 s9, $0xF7A;
	s5 =	simm.s32 @!p2 $0x0  }
0x1d: {  	s5 =	simm.s32 @p1 $0x1;
	p0 =	seq.s32 s7, s2  }
0x1e: {  	s7 =	smul.u32 @!p0 $0xF7A, s2;
	p2 =	seq.s32 @!p0 s5, $0x0  }
0x1f: {  	s9 =	smul.u32 $0xF7A, s1;
	s8 =	simm.s32 @!p0 $0x1BF5;
	p2 =	por !p2, p0  }
0x20: {  	[sflag:s8] =	ssyncset.s32 @!p0 $0xFFFFF086;
	s6 =	sadd.s32 @!p0 s3, s7;
	s7 =	simm.s32 @!p0 $0x108  }
0x21: {  	s3 =	sadd.s32 s3, s9;
	s6 =	sadd.s32 @!p0 $0x88, s6;
	s7 =	simm.s32 @p2 $0x1082  }
0x22: {  	[simem:s7], [sflag:s8] =	dma.local @!p0 [hbm:s6], $0xF7A  }
0x23: {  	s9 =	sor.u32 $0xD0000000, s2;
	s6 =	simm.s32 $0x108;
	_ =	swait.ge @!p0 [sflag:s8], $0x0  }
0x24: {  	s3 =	sadd.s32 $0x88, s3;
	s6 =	simm.s32 @!p1 $0x1082;
	[sflag:s4] =	ssyncset.s32 $0xFFFFF086  }
0x25: {  	[simem:s6], [sflag:s4] =	dma.local [hbm:s3], $0xF7A  }
0x26: {  	[smem:$0x3FA0] =	sst s1;
	(tag) =	ssettag s2;
	_ =	strace s9  }
0x27: {  	s1 =	sld [smem:$0x3FB0]  }
0x28: {  	s2 =	sld [smem:$0x3FB1]  }
0x29: {  	s4 =	sld [smem:$0x3FB3]  }
0x2a: {  	p0 =	seq.s32 s5, $0x0;
	s5 =	sld [smem:$0x3FB4]  }
0x2b: {  	s6 =	sld [smem:$0x3FB5]  }
0x2c: {  	s7 =	sld [smem:$0x3FB6]  }
0x2d: {  	s3 =	simm.s32 $0x108;
	s8 =	sld [smem:$0x3FB7]  }
0x2e: {  	s3 =	simm.s32 @!p0 $0x1082;
	s9 =	sld [smem:$0x3FB8]  }
0x2f: {  	lr =	sadd.s32 s0, s3;
	s0 =	sld [smem:$0x3FAF]  }
0x30: {  	s3 =	sld [smem:$0x3FB2]  }
0x31: {  	[smem:$0x3FBB] =	sst s10  }
0x32: {  	s10 =	sld [smem:$0x3FB9];
	_ =	sdelay $0x3  }
0x33: {  	p0 =	seq.s32 s10, $0x1;
	s10 =	sld [smem:$0x3FBB];
	_ =	sdelay $0x3  }
0x34: {  	[smem:$0x3FBB] =	sst s10  }
0x35: {  	s10 =	sld [smem:$0x3FBA];
	_ =	sdelay $0x3  }
0x36: {  	p1 =	seq.s32 s10, $0x1;
	s10 =	sld [smem:$0x3FBB];
	_ =	sdelay $0x3  }
0x37: {  	[smem:$0x3FBB] =	sst s10  }
0x38: {  	s10 =	sld [smem:$0x3FBC]  }
0x39: {  	_ = 	snop;
	(pc) =	sbr.ind lr, $3  }
0x3a: {  	_ = 	snop  }
0x3b: {  	_ = 	snop  }
0x3c: {  	p2 =	seq.s32 s10, $0x1;
	s10 =	sld [smem:$0x3FBB]  }
0x3d: {  	_ =	shalt  }
0x3e: {  	_ =	shalt  }
0x3f: {  	_ =	shalt  }
0x40: {  	_ =	shalt  }
0x41: {  	_ =	shalt  }
0x42: {  	_ =	shalt  }
0x43: {  	_ =	shalt  }
0x44: {  	_ =	shalt  }
0x45: {  	_ =	shalt  }
0x46: {  	_ =	shalt  }
0x47: {  	_ =	shalt  }
0x48: {  	_ =	shalt  }
0x49: {  	_ =	shalt  }
0x4a: {  	_ =	shalt  }
0x4b: {  	_ =	shalt  }
0x4c: {  	_ =	shalt  }
0x4d: {  	_ =	shalt  }
0x4e: {  	_ =	shalt  }
0x4f: {  	_ =	shalt  }
0x50: {  	_ =	shalt  }
0x51: {  	_ =	shalt  }
0x52: {  	_ =	shalt  }
0x53: {  	_ =	shalt  }
0x54: {  	_ =	shalt  }
0x55: {  	_ =	shalt  }
0x56: {  	_ =	shalt  }
0x57: {  	_ =	shalt  }
0x58: {  	_ =	shalt  }
0x59: {  	_ =	shalt  }
0x5a: {  	_ =	shalt  }
0x5b: {  	_ =	shalt  }
0x5c: {  	_ =	shalt  }
0x5d: {  	_ =	shalt  }
0x5e: {  	_ =	shalt  }
0x5f: {  	_ =	shalt  }
0x60: {  	_ =	shalt  }
0x61: {  	_ =	shalt  }
0x62: {  	_ =	shalt  }
0x63: {  	_ =	shalt  }
0x64: {  	_ =	shalt  }
0x65: {  	_ =	shalt  }
0x66: {  	_ =	shalt  }
0x67: {  	_ =	shalt  }
0x68: {  	_ =	shalt  }
0x69: {  	_ =	shalt  }
0x6a: {  	_ =	shalt  }
0x6b: {  	_ =	shalt  }
0x6c: {  	_ =	shalt  }
0x6d: {  	_ =	shalt  }
0x6e: {  	_ =	shalt  }
0x6f: {  	_ =	shalt  }
0x70: {  	_ =	shalt  }
0x71: {  	_ =	shalt  }
0x72: {  	_ =	shalt  }
0x73: {  	_ =	shalt  }
0x74: {  	_ =	shalt  }
0x75: {  	_ =	shalt  }
0x76: {  	_ =	shalt  }
0x77: {  	_ =	shalt  }
0x78: {  	_ =	shalt  }
0x79: {  	_ =	shalt  }
0x7a: {  	_ =	shalt  }
0x7b: {  	_ =	shalt  }
0x7c: {  	_ =	shalt  }
0x7d: {  	_ =	shalt  }
0x7e: {  	_ =	shalt  }
0x7f: {  	_ =	shalt  }
0x80: {  	_ =	shalt  }
0x81: {  	_ =	shalt  }
0x82: {  	_ =	shalt  }
0x83: {  	_ =	shalt  }
0x84: {  	_ =	shalt  }
0x85: {  	_ =	shalt  }
0x86: {  	_ =	shalt  }
0x87: {  	_ =	shalt  }
.Lfunc_end0:
.L_simem_size_0:
called_computation_lowered:
.L_overlay_start_0:
0x88: {  	s2 =	sld [smem:$0x3FD9]  }
0x89: {  	s3 =	sld [smem:$0x3FFE];
	_ =	sdelay $0x1  }
0x8a: {  	s1 =	srdreg.scid  }
0x8b: {  	s0 =	sand.u32 $0x1, s1  }
0x8c: {  	s18 =	sshll.u32 s0, $0xA;
	s2 =	sadd.s32 s3, s2  }
0x8d: {  	s2 =	sadd.s32 s2, s18  }
0x8e: {  	[smem:$0x3FC7] =	sst s2  }
0x8f: {  	_ = 	snop  }
0x90: {  	s2 =	sld [smem:$0x3FC9]  }
0x91: {  	s19 =	sld [smem:$0x3FD0];
	(tm) =	ssettm $0x1  }
0x92: {  	s4 =	sld [smem:$0x3FFB];
	_ =	sdelay $0x3  }
0x93: {  	_ =	strace s4  }
0x94: {  	s4 =	sld [smem:$0x3FFC];
	_ =	sdelay $0x3  }
0x95: {  	_ =	strace s4  }
0x96: {  	s4 =	sld [smem:$0x3FFD];
	_ =	sdelay $0x3  }
0x97: {  	_ =	strace s4  }
0x98: {  	_ =	strace $0x8FFFFFFF  }
0x99: {  	s20 =	sld [smem:$0x3FDB];
	_ =	sdelay $0x1  }
0x9a: {  	s5 =	simm.s32 $_scs_section_size  }
0x9b: {  	s6 =	simm.s32 $_size__tile_overlayer_lowered;
	s7 =	simm.s32 $_tile_overlayer_lowered  }
0x9c: {  	s23 =	simm.s32 $0x1BFF;
	s22 =	sshll.u32 s7, $0x1;
	s4 =	sadd.s32 s5, s20  }
0x9d: {  	s8 =	simm.s32 $0x0;
	s21 =	sshll.u32 s6, $0x1;
	s6 =	sadd.s32 s22, s4  }
0x9e: {  	[timem:s8], [sflag:s23] =	dma.local [hbm:s6], s21  }
0x9f: {  	_ =	swait.ge [sflag:s23], s21  }
0xa0: {  	s5 =	ssub.s32 $0x0, s21;
	[sflag:s23] =	ssyncset.done $0x0  }
0xa1: {  	[sflag:s23] =	ssyncadd.s32 s5;
	_ =	sdelay $0x1  }
0xa2: {  	s24 =	simm.s32 $0x1B8B  }
0xa3: {  	_ =	swait.ge [sflag:s24], $0x1  }
0xa4: {  	[sflag:s24] =	ssyncset.done $0x0  }
0xa5: {  	s25 =	simm.s32 $0x1B8E;
	[sflag:s24] =	ssyncadd.s32 $0xFFFFFFFF  }
0xa6: {  	s26 =	simm.s32 $execute0_lowered;
	[smem:$0x3FD2] =	sst s25  }
0xa7: {  	s5 =	sshll.u32 s26, $0x1;
	_ =	strace $0x80000046;
	[dreg:$0x1] =	wrdreg $0xFFFFFFFF  }
0xa8: {  	s28 =	simm.s32 $_size_execute0_lowered;
	s4 =	sadd.s32 s4, s5;
	[dreg:$0x0] =	wrdreg $0x0  }
0xa9: {  	s5 =	sshll.u32 s28, $0x1;
	[dreg:$0x2] =	wrdreg s4  }
0xaa: {  	[dreg:$0x3] =	wrdreg s5  }
0xab: {  	[dreg:$0x4] =	wrdreg $0xC0  }
0xac: {  	_ =	task [dreg:s8], $0x5FFFF  }
0xad: {  	[dreg:$0x1] =	wrdreg $0xFFFFFFFF  }
0xae: {  	[dreg:$0x0] =	wrdreg $0x60  }
0xaf: {  	[dreg:$0x2] =	wrdreg s2  }
0xb0: {  	[dreg:$0x3] =	wrdreg s19  }
0xb1: {  	[dreg:$0x4] =	wrdreg $0x9  }
0xb2: {  	_ =	task.clear_ibuf [dreg:s8], $0x5FFFF;
	_ =	strace $0x90000046  }
0xb3: {  	s29 =	simm.s32 $0x9;
	_ =	strace $0x80000048  }
0xb4: {  	_ =	swait.ge [sflag:s29], $0x1  }
0xb5: {  	[sflag:s29] =	ssyncadd.s32 $0xFFFFFFFF  }
0xb6: {  	_ =	strace $0x90000048  }
0xb7: {  	_ =	sfence  }
0xb8: {  	s30 =	sld [smem:$0x0];
	_ =	sdelay $0x2  }
0xb9: {  	s31 =	sshll.u32 s1, $0xD;
	s1 =	sshrl.u32 s1, $0x2  }
0xba: {  	s3 =	sand.u32 $0x4000, s31;
	s1 =	sadd.s32 s1, s30  }
0xbb: {  	s0 =	sor.u32 s3, s0;
	s1 =	sshll.u32 s1, $0x11  }
0xbc: {  	s0 =	sor.u32 s1, s0  }
0xbd: {  	s0 =	sadd.s32 $0x8F2B, s0  }
0xbe: {  	[sflag:s0] =	ssyncadd.remote.s32 $0x1  }
0xbf: {  	_ =	sfence.sel $0xFFFF  }
0xc0: {  	[dreg:$0x0] =	wrdreg $0xFFFFFFFF;
	(pc) =	sbr.abs _section_cstart, $3  }
0xc1: {  	[dreg:$0x1] =	wrdreg $0xFFFFFFFF  }
0xc2: {  	_ =	task.clear_ibuf [dreg:s8], $0x2FFFF;
	_ =	strace $0x9FFFFFFF  }
0xc3: {  	(tm) =	ssettm $0x7FFFFFFF  }
tec
execute0_lowered:
.L_overlay_start_1:
0x0: {  	(tag) =	ssettag $0x1  }
0x1: {  	s2 =	rddreg [dreg:$0x0];
	s0 =	srdreg.scid  }
0x2: {  	s3 =	rddreg [dreg:$0x1];
	s1 =	stileid.u32;
	s4 =	simm.s32 $0x0  }
0x3: {  	s9 =	simm.s32 $0x20000;
	s10 =	simm.s32 $0x4;
	s11 =	simm.s32 $0x3  }
0x4: {  	s12 =	simm.s32 $0x0;
	s5 =	sand.u32 $0x1, s0;
	s0 =	rddreg [dreg:$0x2]  }
0x5: {  	s6 =	sshll.u32 s1, $0xD;
	s7 =	sshll.u32 s5, $0xC;
	s8 =	ssub.s32 $0x2, s5  }
0x6: {  	[smem:$0x7FF] =	sst s4;
	s5 =	sor.u32 s7, s6;
	s31 =	sshrl.u32 s8, $0x1  }
0x7: {  	_ =	strace $0x80000047;
	s7 =	sshrl.u32 s5, $0x3;
	s8 =	ssub.s32 s8, s31  }
0x8: {  	s6 =	sadd.s32 s2, s7;
	s7 =	smax.u32 s8, $0x1;
	s8 =	simm.s32 $0x1000  }
.LBB2_1:
0x9: {  	[tilespmem:s4], [sflag:$0x1] =	stream.linear.gather [hbm4b:s6+s4], $0x1000, $0x38;
	[tilespmem:$0x12000] =	vst v63  }
0xa: {  	s14 =	simm.s32 $0x0  }
.LBB2_2:
0xb: {  	s13 =	sadd.s32 $0x1, s14;
	p0 =	seq.s32 s14, $0x18  }
0xc: {  	s15 =	sand.u32 $0x1, s14;
	s16 =	sshll.u32 @!p0 s13, $0x11  }
0xd: {  	s17 =	sxor.u32 @!p0 $0x1, s15;
	s16 =	sor.u32 @!p0 s5, s16  }
0xe: {  	s19 =	simm.s32 @!p0 $0x0;
	s29 =	sadd.s32 $0x1, s15;
	s16 =	sshrl.u32 @!p0 s16, $0x3  }
0xf: {  	s18 =	sshll.u32 @!p0 s17, $0xC;
	s17 =	sadd.s32 @!p0 $0x1, s17;
	s16 =	sadd.s32 @!p0 s2, s16  }
0x10: {  	[tilespmem:s18], [sflag:s17] =	stream.linear.gather @!p0 [hbm4b:s16+s19], $0x1000, $0x38;
	[tilespmem:$0x12000] =	vst v63  }
0x11: {  	_ =	swait.ge [sflag:s29], $0x1000  }
0x12: {  	s31 =	sshll.u32 s15, $0xC;
	p0 =	slt.u32 s14, $0x2;
	[sflag:s29] =	ssyncset.done $0x0  }
0x13: {  	v0 =	vmov s31;
	s17 =	sadd.s32 @!p0 $0x3, s15;
	[sflag:s29] =	ssyncadd.s32 $0xFFFFF000  }
0x14: {  	s30 =	sshll.u32 s15, $0xF;
	_ =	swait.ge @!p0 [sflag:s17], $0x8000  }
0x15: {  	s16 =	sor.u32 $0x2000, s30;
	[sflag:s17] =	ssyncset.done @!p0 $0x0  }
0x16: {  	v1 =	vmov s16;
	[sflag:s17] =	ssyncadd.s32 @!p0 $0xFFFF8000;
	s17 =	simm.s32 $0x0  }
.LBB2_3:
0x17: {  	s18 =	sshll.u32 s17, $0x7  }
0x18: {  	v2 =	vld.idx.msk [tilespmem:v0+s18+$0x0 ss:$0x1], $0xffff;
	_ =	sdelay $0x4  }
0x19: {  	[tilespmem:v1+s18+$0x0 ss:$0x1] =	vst.idx.msk $0xffff, v2  }
0x1a: {  	[tilespmem:v1+s18+$0x80 ss:$0x1] =	vst.idx.msk $0xffff, v2  }
0x1b: {  	[tilespmem:v1+s18+$0x100 ss:$0x1] =	vst.idx.msk $0xffff, v2  }
0x1c: {  	[tilespmem:v1+s18+$0x180 ss:$0x1] =	vst.idx.msk $0xffff, v2  }
0x1d: {  	[tilespmem:v1+s18+$0x200 ss:$0x1] =	vst.idx.msk $0xffff, v2  }
0x1e: {  	[tilespmem:v1+s18+$0x280 ss:$0x1] =	vst.idx.msk $0xffff, v2  }
0x1f: {  	[tilespmem:v1+s18+$0x300 ss:$0x1] =	vst.idx.msk $0xffff, v2  }
0x20: {  	[tilespmem:v1+s18+$0x380 ss:$0x1] =	vst.idx.msk $0xffff, v2  }
0x21: {  	v2 =	vld.idx.msk [tilespmem:v0+s18+$0x80 ss:$0x1], $0xffff;
	_ =	sdelay $0x4  }
0x22: {  	[tilespmem:v1+s18+$0x1000 ss:$0x1] =	vst.idx.msk $0xffff, v2  }
0x23: {  	[tilespmem:v1+s18+$0x1080 ss:$0x1] =	vst.idx.msk $0xffff, v2  }
0x24: {  	[tilespmem:v1+s18+$0x1100 ss:$0x1] =	vst.idx.msk $0xffff, v2  }
0x25: {  	[tilespmem:v1+s18+$0x1180 ss:$0x1] =	vst.idx.msk $0xffff, v2  }
0x26: {  	[tilespmem:v1+s18+$0x1200 ss:$0x1] =	vst.idx.msk $0xffff, v2  }
0x27: {  	[tilespmem:v1+s18+$0x1280 ss:$0x1] =	vst.idx.msk $0xffff, v2  }
0x28: {  	[tilespmem:v1+s18+$0x1300 ss:$0x1] =	vst.idx.msk $0xffff, v2  }
0x29: {  	[tilespmem:v1+s18+$0x1380 ss:$0x1] =	vst.idx.msk $0xffff, v2  }
0x2a: {  	v2 =	vld.idx.msk [tilespmem:v0+s18+$0x100 ss:$0x1], $0xffff;
	_ =	sdelay $0x4  }
0x2b: {  	[tilespmem:v1+s18+$0x2000 ss:$0x1] =	vst.idx.msk $0xffff, v2  }
0x2c: {  	[tilespmem:v1+s18+$0x2080 ss:$0x1] =	vst.idx.msk $0xffff, v2  }
0x2d: {  	[tilespmem:v1+s18+$0x2100 ss:$0x1] =	vst.idx.msk $0xffff, v2  }
0x2e: {  	[tilespmem:v1+s18+$0x2180 ss:$0x1] =	vst.idx.msk $0xffff, v2  }
0x2f: {  	[tilespmem:v1+s18+$0x2200 ss:$0x1] =	vst.idx.msk $0xffff, v2  }
0x30: {  	[tilespmem:v1+s18+$0x2280 ss:$0x1] =	vst.idx.msk $0xffff, v2  }
0x31: {  	[tilespmem:v1+s18+$0x2300 ss:$0x1] =	vst.idx.msk $0xffff, v2  }
0x32: {  	[tilespmem:v1+s18+$0x2380 ss:$0x1] =	vst.idx.msk $0xffff, v2  }
0x33: {  	v2 =	vld.idx.msk [tilespmem:v0+s18+$0x180 ss:$0x1], $0xffff;
	_ =	sdelay $0x4  }
0x34: {  	[tilespmem:v1+s18+$0x3000 ss:$0x1] =	vst.idx.msk $0xffff, v2  }
0x35: {  	[tilespmem:v1+s18+$0x3080 ss:$0x1] =	vst.idx.msk $0xffff, v2  }
0x36: {  	[tilespmem:v1+s18+$0x3100 ss:$0x1] =	vst.idx.msk $0xffff, v2  }
0x37: {  	[tilespmem:v1+s18+$0x3180 ss:$0x1] =	vst.idx.msk $0xffff, v2  }
0x38: {  	[tilespmem:v1+s18+$0x3200 ss:$0x1] =	vst.idx.msk $0xffff, v2  }
0x39: {  	[tilespmem:v1+s18+$0x3280 ss:$0x1] =	vst.idx.msk $0xffff, v2  }
0x3a: {  	[tilespmem:v1+s18+$0x3300 ss:$0x1] =	vst.idx.msk $0xffff, v2  }
0x3b: {  	[tilespmem:v1+s18+$0x3380 ss:$0x1] =	vst.idx.msk $0xffff, v2  }
0x3c: {  	v2 =	vld.idx.msk [tilespmem:v0+s18+$0x200 ss:$0x1], $0xffff;
	_ =	sdelay $0x4  }
0x3d: {  	[tilespmem:v1+s18+$0x4000 ss:$0x1] =	vst.idx.msk $0xffff, v2  }
0x3e: {  	[tilespmem:v1+s18+$0x4080 ss:$0x1] =	vst.idx.msk $0xffff, v2  }
0x3f: {  	[tilespmem:v1+s18+$0x4100 ss:$0x1] =	vst.idx.msk $0xffff, v2  }
0x40: {  	[tilespmem:v1+s18+$0x4180 ss:$0x1] =	vst.idx.msk $0xffff, v2  }
0x41: {  	[tilespmem:v1+s18+$0x4200 ss:$0x1] =	vst.idx.msk $0xffff, v2  }
0x42: {  	[tilespmem:v1+s18+$0x4280 ss:$0x1] =	vst.idx.msk $0xffff, v2  }
0x43: {  	[tilespmem:v1+s18+$0x4300 ss:$0x1] =	vst.idx.msk $0xffff, v2  }
0x44: {  	[tilespmem:v1+s18+$0x4380 ss:$0x1] =	vst.idx.msk $0xffff, v2  }
0x45: {  	v2 =	vld.idx.msk [tilespmem:v0+s18+$0x280 ss:$0x1], $0xffff;
	_ =	sdelay $0x4  }
0x46: {  	[tilespmem:v1+s18+$0x5000 ss:$0x1] =	vst.idx.msk $0xffff, v2  }
0x47: {  	[tilespmem:v1+s18+$0x5080 ss:$0x1] =	vst.idx.msk $0xffff, v2  }
0x48: {  	[tilespmem:v1+s18+$0x5100 ss:$0x1] =	vst.idx.msk $0xffff, v2  }
0x49: {  	[tilespmem:v1+s18+$0x5180 ss:$0x1] =	vst.idx.msk $0xffff, v2  }
0x4a: {  	[tilespmem:v1+s18+$0x5200 ss:$0x1] =	vst.idx.msk $0xffff, v2  }
0x4b: {  	[tilespmem:v1+s18+$0x5280 ss:$0x1] =	vst.idx.msk $0xffff, v2  }
0x4c: {  	[tilespmem:v1+s18+$0x5300 ss:$0x1] =	vst.idx.msk $0xffff, v2  }
0x4d: {  	[tilespmem:v1+s18+$0x5380 ss:$0x1] =	vst.idx.msk $0xffff, v2  }
0x4e: {  	v2 =	vld.idx.msk [tilespmem:v0+s18+$0x300 ss:$0x1], $0xffff;
	_ =	sdelay $0x4  }
0x4f: {  	[tilespmem:v1+s18+$0x6000 ss:$0x1] =	vst.idx.msk $0xffff, v2  }
0x50: {  	[tilespmem:v1+s18+$0x6080 ss:$0x1] =	vst.idx.msk $0xffff, v2  }
0x51: {  	[tilespmem:v1+s18+$0x6100 ss:$0x1] =	vst.idx.msk $0xffff, v2  }
0x52: {  	[tilespmem:v1+s18+$0x6180 ss:$0x1] =	vst.idx.msk $0xffff, v2  }
0x53: {  	[tilespmem:v1+s18+$0x6200 ss:$0x1] =	vst.idx.msk $0xffff, v2  }
0x54: {  	v3 =	vld.idx.msk [tilespmem:v0+s18+$0x10 ss:$0x1], $0xffff;
	[tilespmem:v1+s18+$0x6280 ss:$0x1] =	vst.idx.msk $0xffff, v2  }
0x55: {  	[tilespmem:v1+s18+$0x6300 ss:$0x1] =	vst.idx.msk $0xffff, v2  }
0x56: {  	[tilespmem:v1+s18+$0x6380 ss:$0x1] =	vst.idx.msk $0xffff, v2  }
0x57: {  	v2 =	vld.idx.msk [tilespmem:v0+s18+$0x380 ss:$0x1], $0xffff;
	_ =	sdelay $0x1  }
0x58: {  	[tilespmem:v1+s18+$0x10 ss:$0x1] =	vst.idx.msk $0xffff, v3  }
0x59: {  	[tilespmem:v1+s18+$0x90 ss:$0x1] =	vst.idx.msk $0xffff, v3  }
0x5a: {  	[tilespmem:v1+s18+$0x110 ss:$0x1] =	vst.idx.msk $0xffff, v3  }
0x5b: {  	[tilespmem:v1+s18+$0x7000 ss:$0x1] =	vst.idx.msk $0xffff, v2  }
0x5c: {  	[tilespmem:v1+s18+$0x7080 ss:$0x1] =	vst.idx.msk $0xffff, v2  }
0x5d: {  	[tilespmem:v1+s18+$0x7100 ss:$0x1] =	vst.idx.msk $0xffff, v2  }
0x5e: {  	[tilespmem:v1+s18+$0x7180 ss:$0x1] =	vst.idx.msk $0xffff, v2  }
0x5f: {  	[tilespmem:v1+s18+$0x7200 ss:$0x1] =	vst.idx.msk $0xffff, v2  }
0x60: {  	[tilespmem:v1+s18+$0x7280 ss:$0x1] =	vst.idx.msk $0xffff, v2  }
0x61: {  	[tilespmem:v1+s18+$0x7300 ss:$0x1] =	vst.idx.msk $0xffff, v2  }
0x62: {  	[tilespmem:v1+s18+$0x7380 ss:$0x1] =	vst.idx.msk $0xffff, v2  }
0x63: {  	[tilespmem:v1+s18+$0x190 ss:$0x1] =	vst.idx.msk $0xffff, v3  }
0x64: {  	[tilespmem:v1+s18+$0x210 ss:$0x1] =	vst.idx.msk $0xffff, v3  }
0x65: {  	[tilespmem:v1+s18+$0x290 ss:$0x1] =	vst.idx.msk $0xffff, v3  }
0x66: {  	[tilespmem:v1+s18+$0x310 ss:$0x1] =	vst.idx.msk $0xffff, v3  }
0x67: {  	[tilespmem:v1+s18+$0x390 ss:$0x1] =	vst.idx.msk $0xffff, v3  }
0x68: {  	v2 =	vld.idx.msk [tilespmem:v0+s18+$0x90 ss:$0x1], $0xffff;
	_ =	sdelay $0x4  }
0x69: {  	[tilespmem:v1+s18+$0x1010 ss:$0x1] =	vst.idx.msk $0xffff, v2  }
0x6a: {  	[tilespmem:v1+s18+$0x1090 ss:$0x1] =	vst.idx.msk $0xffff, v2  }
0x6b: {  	[tilespmem:v1+s18+$0x1110 ss:$0x1] =	vst.idx.msk $0xffff, v2  }
0x6c: {  	v3 =	vld.idx.msk [tilespmem:v0+s18+$0x20 ss:$0x1], $0xffff;
	[tilespmem:v1+s18+$0x1190 ss:$0x1] =	vst.idx.msk $0xffff, v2  }
0x6d: {  	[tilespmem:v1+s18+$0x1210 ss:$0x1] =	vst.idx.msk $0xffff, v2  }
0x6e: {  	[tilespmem:v1+s18+$0x1290 ss:$0x1] =	vst.idx.msk $0xffff, v2  }
0x6f: {  	[tilespmem:v1+s18+$0x1310 ss:$0x1] =	vst.idx.msk $0xffff, v2  }
0x70: {  	[tilespmem:v1+s18+$0x1390 ss:$0x1] =	vst.idx.msk $0xffff, v2  }
0x71: {  	[tilespmem:v1+s18+$0x20 ss:$0x1] =	vst.idx.msk $0xffff, v3  }
0x72: {  	[tilespmem:v1+s18+$0xA0 ss:$0x1] =	vst.idx.msk $0xffff, v3  }
0x73: {  	[tilespmem:v1+s18+$0x120 ss:$0x1] =	vst.idx.msk $0xffff, v3  }
0x74: {  	v4 =	vld.idx.msk [tilespmem:v0+s18+$0x30 ss:$0x1], $0xffff;
	[tilespmem:v1+s18+$0x1A0 ss:$0x1] =	vst.idx.msk $0xffff, v3  }
0x75: {  	[tilespmem:v1+s18+$0x220 ss:$0x1] =	vst.idx.msk $0xffff, v3  }
0x76: {  	[tilespmem:v1+s18+$0x2A0 ss:$0x1] =	vst.idx.msk $0xffff, v3  }
0x77: {  	[tilespmem:v1+s18+$0x320 ss:$0x1] =	vst.idx.msk $0xffff, v3  }
0x78: {  	[tilespmem:v1+s18+$0x3A0 ss:$0x1] =	vst.idx.msk $0xffff, v3  }
0x79: {  	[tilespmem:v1+s18+$0x30 ss:$0x1] =	vst.idx.msk $0xffff, v4  }
0x7a: {  	[tilespmem:v1+s18+$0xB0 ss:$0x1] =	vst.idx.msk $0xffff, v4  }
0x7b: {  	[tilespmem:v1+s18+$0x130 ss:$0x1] =	vst.idx.msk $0xffff, v4  }
0x7c: {  	v63 =	vld.idx.msk [tilespmem:v0+s18+$0x60 ss:$0x1], $0xffff;
	[tilespmem:v1+s18+$0x1B0 ss:$0x1] =	vst.idx.msk $0xffff, v4  }
0x7d: {  	[tilespmem:v1+s18+$0x230 ss:$0x1] =	vst.idx.msk $0xffff, v4  }
0x7e: {  	[tilespmem:v1+s18+$0x2B0 ss:$0x1] =	vst.idx.msk $0xffff, v4  }
0x7f: {  	[tilespmem:v1+s18+$0x330 ss:$0x1] =	vst.idx.msk $0xffff, v4  }
0x80: {  	[tilespmem:v1+s18+$0x3B0 ss:$0x1] =	vst.idx.msk $0xffff, v4  }
0x81: {  	[tilespmem:v1+s18+$0x60 ss:$0x1] =	vst.idx.msk $0xffff, v63  }
0x82: {  	[tilespmem:v1+s18+$0xE0 ss:$0x1] =	vst.idx.msk $0xffff, v63  }
0x83: {  	[tilespmem:v1+s18+$0x160 ss:$0x1] =	vst.idx.msk $0xffff, v63  }
0x84: {  	[tilespmem:v1+s18+$0x1E0 ss:$0x1] =	vst.idx.msk $0xffff, v63;
	v2 =	vld.idx.msk [tilespmem:v0+s18+$0x110 ss:$0x1], $0xffff  }
0x85: {  	[tilespmem:v1+s18+$0x260 ss:$0x1] =	vst.idx.msk $0xffff, v63  }
0x86: {  	[tilespmem:v1+s18+$0x2E0 ss:$0x1] =	vst.idx.msk $0xffff, v63  }
0x87: {  	[tilespmem:v1+s18+$0x360 ss:$0x1] =	vst.idx.msk $0xffff, v63  }
0x88: {  	[tilespmem:v1+s18+$0x3E0 ss:$0x1] =	vst.idx.msk $0xffff, v63  }
0x89: {  	[tilespmem:v1+s18+$0x2010 ss:$0x1] =	vst.idx.msk $0xffff, v2  }
0x8a: {  	[tilespmem:v1+s18+$0x2090 ss:$0x1] =	vst.idx.msk $0xffff, v2  }
0x8b: {  	[tilespmem:v1+s18+$0x2110 ss:$0x1] =	vst.idx.msk $0xffff, v2  }
0x8c: {  	v3 =	vld.idx.msk [tilespmem:v0+s18+$0xA0 ss:$0x1], $0xffff;
	[tilespmem:v1+s18+$0x2190 ss:$0x1] =	vst.idx.msk $0xffff, v2  }
0x8d: {  	[tilespmem:v1+s18+$0x2210 ss:$0x1] =	vst.idx.msk $0xffff, v2  }
0x8e: {  	[tilespmem:v1+s18+$0x2290 ss:$0x1] =	vst.idx.msk $0xffff, v2  }
0x8f: {  	[tilespmem:v1+s18+$0x2310 ss:$0x1] =	vst.idx.msk $0xffff, v2  }
0x90: {  	[tilespmem:v1+s18+$0x2390 ss:$0x1] =	vst.idx.msk $0xffff, v2  }
0x91: {  	[tilespmem:v1+s18+$0x1020 ss:$0x1] =	vst.idx.msk $0xffff, v3  }
0x92: {  	[tilespmem:v1+s18+$0x10A0 ss:$0x1] =	vst.idx.msk $0xffff, v3  }
0x93: {  	[tilespmem:v1+s18+$0x1120 ss:$0x1] =	vst.idx.msk $0xffff, v3  }
0x94: {  	v4 =	vld.idx.msk [tilespmem:v0+s18+$0xB0 ss:$0x1], $0xffff;
	[tilespmem:v1+s18+$0x11A0 ss:$0x1] =	vst.idx.msk $0xffff, v3  }
0x95: {  	[tilespmem:v1+s18+$0x1220 ss:$0x1] =	vst.idx.msk $0xffff, v3  }
0x96: {  	[tilespmem:v1+s18+$0x12A0 ss:$0x1] =	vst.idx.msk $0xffff, v3  }
0x97: {  	[tilespmem:v1+s18+$0x1320 ss:$0x1] =	vst.idx.msk $0xffff, v3  }
0x98: {  	[tilespmem:v1+s18+$0x13A0 ss:$0x1] =	vst.idx.msk $0xffff, v3  }
0x99: {  	[tilespmem:v1+s18+$0x1030 ss:$0x1] =	vst.idx.msk $0xffff, v4  }
0x9a: {  	[tilespmem:v1+s18+$0x10B0 ss:$0x1] =	vst.idx.msk $0xffff, v4  }
0x9b: {  	[tilespmem:v1+s18+$0x1130 ss:$0x1] =	vst.idx.msk $0xffff, v4  }
0x9c: {  	[tilespmem:v1+s18+$0x11B0 ss:$0x1] =	vst.idx.msk $0xffff, v4;
	v2 =	vld.idx.msk [tilespmem:v0+s18+$0x190 ss:$0x1], $0xffff  }
0x9d: {  	[tilespmem:v1+s18+$0x1230 ss:$0x1] =	vst.idx.msk $0xffff, v4  }
0x9e: {  	[tilespmem:v1+s18+$0x12B0 ss:$0x1] =	vst.idx.msk $0xffff, v4  }
0x9f: {  	[tilespmem:v1+s18+$0x1330 ss:$0x1] =	vst.idx.msk $0xffff, v4  }
0xa0: {  	[tilespmem:v1+s18+$0x13B0 ss:$0x1] =	vst.idx.msk $0xffff, v4  }
0xa1: {  	[tilespmem:v1+s18+$0x3010 ss:$0x1] =	vst.idx.msk $0xffff, v2  }
0xa2: {  	[tilespmem:v1+s18+$0x3090 ss:$0x1] =	vst.idx.msk $0xffff, v2  }
0xa3: {  	[tilespmem:v1+s18+$0x3110 ss:$0x1] =	vst.idx.msk $0xffff, v2  }
0xa4: {  	v3 =	vld.idx.msk [tilespmem:v0+s18+$0x120 ss:$0x1], $0xffff;
	[tilespmem:v1+s18+$0x3190 ss:$0x1] =	vst.idx.msk $0xffff, v2  }
0xa5: {  	[tilespmem:v1+s18+$0x3210 ss:$0x1] =	vst.idx.msk $0xffff, v2  }
0xa6: {  	[tilespmem:v1+s18+$0x3290 ss:$0x1] =	vst.idx.msk $0xffff, v2  }
0xa7: {  	[tilespmem:v1+s18+$0x3310 ss:$0x1] =	vst.idx.msk $0xffff, v2  }
0xa8: {  	[tilespmem:v1+s18+$0x3390 ss:$0x1] =	vst.idx.msk $0xffff, v2  }
0xa9: {  	[tilespmem:v1+s18+$0x2020 ss:$0x1] =	vst.idx.msk $0xffff, v3  }
0xaa: {  	[tilespmem:v1+s18+$0x20A0 ss:$0x1] =	vst.idx.msk $0xffff, v3  }
0xab: {  	[tilespmem:v1+s18+$0x2120 ss:$0x1] =	vst.idx.msk $0xffff, v3  }
0xac: {  	v4 =	vld.idx.msk [tilespmem:v0+s18+$0x130 ss:$0x1], $0xffff;
	[tilespmem:v1+s18+$0x21A0 ss:$0x1] =	vst.idx.msk $0xffff, v3  }
0xad: {  	[tilespmem:v1+s18+$0x2220 ss:$0x1] =	vst.idx.msk $0xffff, v3  }
0xae: {  	[tilespmem:v1+s18+$0x22A0 ss:$0x1] =	vst.idx.msk $0xffff, v3  }
0xaf: {  	[tilespmem:v1+s18+$0x2320 ss:$0x1] =	vst.idx.msk $0xffff, v3  }
0xb0: {  	[tilespmem:v1+s18+$0x23A0 ss:$0x1] =	vst.idx.msk $0xffff, v3  }
0xb1: {  	[tilespmem:v1+s18+$0x2030 ss:$0x1] =	vst.idx.msk $0xffff, v4  }
0xb2: {  	[tilespmem:v1+s18+$0x20B0 ss:$0x1] =	vst.idx.msk $0xffff, v4  }
0xb3: {  	[tilespmem:v1+s18+$0x2130 ss:$0x1] =	vst.idx.msk $0xffff, v4  }
0xb4: {  	[tilespmem:v1+s18+$0x21B0 ss:$0x1] =	vst.idx.msk $0xffff, v4;
	v2 =	vld.idx.msk [tilespmem:v0+s18+$0x210 ss:$0x1], $0xffff  }
0xb5: {  	[tilespmem:v1+s18+$0x2230 ss:$0x1] =	vst.idx.msk $0xffff, v4  }
0xb6: {  	[tilespmem:v1+s18+$0x22B0 ss:$0x1] =	vst.idx.msk $0xffff, v4  }
0xb7: {  	[tilespmem:v1+s18+$0x2330 ss:$0x1] =	vst.idx.msk $0xffff, v4  }
0xb8: {  	[tilespmem:v1+s18+$0x23B0 ss:$0x1] =	vst.idx.msk $0xffff, v4  }
0xb9: {  	[tilespmem:v1+s18+$0x4010 ss:$0x1] =	vst.idx.msk $0xffff, v2  }
0xba: {  	[tilespmem:v1+s18+$0x4090 ss:$0x1] =	vst.idx.msk $0xffff, v2  }
0xbb: {  	[tilespmem:v1+s18+$0x4110 ss:$0x1] =	vst.idx.msk $0xffff, v2  }
0xbc: {  	v3 =	vld.idx.msk [tilespmem:v0+s18+$0x1A0 ss:$0x1], $0xffff;
	[tilespmem:v1+s18+$0x4190 ss:$0x1] =	vst.idx.msk $0xffff, v2  }
0xbd: {  	[tilespmem:v1+s18+$0x4210 ss:$0x1] =	vst.idx.msk $0xffff, v2  }
0xbe: {  	[tilespmem:v1+s18+$0x4290 ss:$0x1] =	vst.idx.msk $0xffff, v2  }
0xbf: {  	[tilespmem:v1+s18+$0x4310 ss:$0x1] =	vst.idx.msk $0xffff, v2  }
0xc0: {  	[tilespmem:v1+s18+$0x4390 ss:$0x1] =	vst.idx.msk $0xffff, v2  }
0xc1: {  	[tilespmem:v1+s18+$0x3020 ss:$0x1] =	vst.idx.msk $0xffff, v3  }
0xc2: {  	[tilespmem:v1+s18+$0x30A0 ss:$0x1] =	vst.idx.msk $0xffff, v3  }
0xc3: {  	[tilespmem:v1+s18+$0x3120 ss:$0x1] =	vst.idx.msk $0xffff, v3  }
0xc4: {  	v4 =	vld.idx.msk [tilespmem:v0+s18+$0x1B0 ss:$0x1], $0xffff;
	[tilespmem:v1+s18+$0x31A0 ss:$0x1] =	vst.idx.msk $0xffff, v3  }
0xc5: {  	[tilespmem:v1+s18+$0x3220 ss:$0x1] =	vst.idx.msk $0xffff, v3  }
0xc6: {  	[tilespmem:v1+s18+$0x32A0 ss:$0x1] =	vst.idx.msk $0xffff, v3  }
0xc7: {  	[tilespmem:v1+s18+$0x3320 ss:$0x1] =	vst.idx.msk $0xffff, v3  }
0xc8: {  	[tilespmem:v1+s18+$0x33A0 ss:$0x1] =	vst.idx.msk $0xffff, v3  }
0xc9: {  	[tilespmem:v1+s18+$0x3030 ss:$0x1] =	vst.idx.msk $0xffff, v4  }
0xca: {  	[tilespmem:v1+s18+$0x30B0 ss:$0x1] =	vst.idx.msk $0xffff, v4  }
0xcb: {  	[tilespmem:v1+s18+$0x3130 ss:$0x1] =	vst.idx.msk $0xffff, v4  }
0xcc: {  	[tilespmem:v1+s18+$0x31B0 ss:$0x1] =	vst.idx.msk $0xffff, v4;
	v2 =	vld.idx.msk [tilespmem:v0+s18+$0x290 ss:$0x1], $0xffff  }
0xcd: {  	[tilespmem:v1+s18+$0x3230 ss:$0x1] =	vst.idx.msk $0xffff, v4  }
0xce: {  	[tilespmem:v1+s18+$0x32B0 ss:$0x1] =	vst.idx.msk $0xffff, v4  }
0xcf: {  	[tilespmem:v1+s18+$0x3330 ss:$0x1] =	vst.idx.msk $0xffff, v4  }
0xd0: {  	[tilespmem:v1+s18+$0x33B0 ss:$0x1] =	vst.idx.msk $0xffff, v4  }
0xd1: {  	[tilespmem:v1+s18+$0x5010 ss:$0x1] =	vst.idx.msk $0xffff, v2  }
0xd2: {  	[tilespmem:v1+s18+$0x5090 ss:$0x1] =	vst.idx.msk $0xffff, v2  }
0xd3: {  	[tilespmem:v1+s18+$0x5110 ss:$0x1] =	vst.idx.msk $0xffff, v2  }
0xd4: {  	v3 =	vld.idx.msk [tilespmem:v0+s18+$0x220 ss:$0x1], $0xffff;
	[tilespmem:v1+s18+$0x5190 ss:$0x1] =	vst.idx.msk $0xffff, v2  }
0xd5: {  	[tilespmem:v1+s18+$0x5210 ss:$0x1] =	vst.idx.msk $0xffff, v2  }
0xd6: {  	[tilespmem:v1+s18+$0x5290 ss:$0x1] =	vst.idx.msk $0xffff, v2  }
0xd7: {  	[tilespmem:v1+s18+$0x5310 ss:$0x1] =	vst.idx.msk $0xffff, v2  }
0xd8: {  	[tilespmem:v1+s18+$0x5390 ss:$0x1] =	vst.idx.msk $0xffff, v2  }
0xd9: {  	[tilespmem:v1+s18+$0x4020 ss:$0x1] =	vst.idx.msk $0xffff, v3  }
0xda: {  	[tilespmem:v1+s18+$0x40A0 ss:$0x1] =	vst.idx.msk $0xffff, v3  }
0xdb: {  	[tilespmem:v1+s18+$0x4120 ss:$0x1] =	vst.idx.msk $0xffff, v3  }
0xdc: {  	v4 =	vld.idx.msk [tilespmem:v0+s18+$0x230 ss:$0x1], $0xffff;
	[tilespmem:v1+s18+$0x41A0 ss:$0x1] =	vst.idx.msk $0xffff, v3  }
0xdd: {  	[tilespmem:v1+s18+$0x4220 ss:$0x1] =	vst.idx.msk $0xffff, v3  }
0xde: {  	[tilespmem:v1+s18+$0x42A0 ss:$0x1] =	vst.idx.msk $0xffff, v3  }
0xdf: {  	[tilespmem:v1+s18+$0x4320 ss:$0x1] =	vst.idx.msk $0xffff, v3  }
0xe0: {  	[tilespmem:v1+s18+$0x43A0 ss:$0x1] =	vst.idx.msk $0xffff, v3  }
0xe1: {  	[tilespmem:v1+s18+$0x4030 ss:$0x1] =	vst.idx.msk $0xffff, v4  }
0xe2: {  	[tilespmem:v1+s18+$0x40B0 ss:$0x1] =	vst.idx.msk $0xffff, v4  }
0xe3: {  	[tilespmem:v1+s18+$0x4130 ss:$0x1] =	vst.idx.msk $0xffff, v4  }
0xe4: {  	[tilespmem:v1+s18+$0x41B0 ss:$0x1] =	vst.idx.msk $0xffff, v4;
	v2 =	vld.idx.msk [tilespmem:v0+s18+$0x310 ss:$0x1], $0xffff  }
0xe5: {  	[tilespmem:v1+s18+$0x4230 ss:$0x1] =	vst.idx.msk $0xffff, v4  }
0xe6: {  	[tilespmem:v1+s18+$0x42B0 ss:$0x1] =	vst.idx.msk $0xffff, v4  }
0xe7: {  	[tilespmem:v1+s18+$0x4330 ss:$0x1] =	vst.idx.msk $0xffff, v4  }
0xe8: {  	[tilespmem:v1+s18+$0x43B0 ss:$0x1] =	vst.idx.msk $0xffff, v4  }
0xe9: {  	[tilespmem:v1+s18+$0x6010 ss:$0x1] =	vst.idx.msk $0xffff, v2  }
0xea: {  	[tilespmem:v1+s18+$0x6090 ss:$0x1] =	vst.idx.msk $0xffff, v2  }
0xeb: {  	[tilespmem:v1+s18+$0x6110 ss:$0x1] =	vst.idx.msk $0xffff, v2  }
0xec: {  	v3 =	vld.idx.msk [tilespmem:v0+s18+$0x2A0 ss:$0x1], $0xffff;
	[tilespmem:v1+s18+$0x6190 ss:$0x1] =	vst.idx.msk $0xffff, v2  }
0xed: {  	[tilespmem:v1+s18+$0x6210 ss:$0x1] =	vst.idx.msk $0xffff, v2  }
0xee: {  	[tilespmem:v1+s18+$0x6290 ss:$0x1] =	vst.idx.msk $0xffff, v2  }
0xef: {  	[tilespmem:v1+s18+$0x6310 ss:$0x1] =	vst.idx.msk $0xffff, v2  }
0xf0: {  	[tilespmem:v1+s18+$0x6390 ss:$0x1] =	vst.idx.msk $0xffff, v2  }
0xf1: {  	[tilespmem:v1+s18+$0x5020 ss:$0x1] =	vst.idx.msk $0xffff, v3  }
0xf2: {  	[tilespmem:v1+s18+$0x50A0 ss:$0x1] =	vst.idx.msk $0xffff, v3  }
0xf3: {  	[tilespmem:v1+s18+$0x5120 ss:$0x1] =	vst.idx.msk $0xffff, v3  }
0xf4: {  	v4 =	vld.idx.msk [tilespmem:v0+s18+$0x2B0 ss:$0x1], $0xffff;
	[tilespmem:v1+s18+$0x51A0 ss:$0x1] =	vst.idx.msk $0xffff, v3  }
0xf5: {  	[tilespmem:v1+s18+$0x5220 ss:$0x1] =	vst.idx.msk $0xffff, v3  }
0xf6: {  	[tilespmem:v1+s18+$0x52A0 ss:$0x1] =	vst.idx.msk $0xffff, v3  }
0xf7: {  	[tilespmem:v1+s18+$0x5320 ss:$0x1] =	vst.idx.msk $0xffff, v3  }
0xf8: {  	[tilespmem:v1+s18+$0x53A0 ss:$0x1] =	vst.idx.msk $0xffff, v3  }
0xf9: {  	[tilespmem:v1+s18+$0x5030 ss:$0x1] =	vst.idx.msk $0xffff, v4  }
0xfa: {  	[tilespmem:v1+s18+$0x50B0 ss:$0x1] =	vst.idx.msk $0xffff, v4  }
0xfb: {  	[tilespmem:v1+s18+$0x5130 ss:$0x1] =	vst.idx.msk $0xffff, v4  }
0xfc: {  	[tilespmem:v1+s18+$0x51B0 ss:$0x1] =	vst.idx.msk $0xffff, v4;
	v2 =	vld.idx.msk [tilespmem:v0+s18+$0x390 ss:$0x1], $0xffff  }
0xfd: {  	[tilespmem:v1+s18+$0x5230 ss:$0x1] =	vst.idx.msk $0xffff, v4  }
0xfe: {  	[tilespmem:v1+s18+$0x52B0 ss:$0x1] =	vst.idx.msk $0xffff, v4  }
0xff: {  	[tilespmem:v1+s18+$0x5330 ss:$0x1] =	vst.idx.msk $0xffff, v4  }
0x100: {  	[tilespmem:v1+s18+$0x53B0 ss:$0x1] =	vst.idx.msk $0xffff, v4  }
0x101: {  	[tilespmem:v1+s18+$0x7010 ss:$0x1] =	vst.idx.msk $0xffff, v2  }
0x102: {  	v3 =	vld.idx.msk [tilespmem:v0+s18+$0x320 ss:$0x1], $0xffff;
	[tilespmem:v1+s18+$0x7090 ss:$0x1] =	vst.idx.msk $0xffff, v2  }
0x103: {  	[tilespmem:v1+s18+$0x7110 ss:$0x1] =	vst.idx.msk $0xffff, v2  }
0x104: {  	[tilespmem:v1+s18+$0x7190 ss:$0x1] =	vst.idx.msk $0xffff, v2  }
0x105: {  	[tilespmem:v1+s18+$0x7210 ss:$0x1] =	vst.idx.msk $0xffff, v2  }
0x106: {  	[tilespmem:v1+s18+$0x7290 ss:$0x1] =	vst.idx.msk $0xffff, v2  }
0x107: {  	[tilespmem:v1+s18+$0x6020 ss:$0x1] =	vst.idx.msk $0xffff, v3  }
0x108: {  	[tilespmem:v1+s18+$0x60A0 ss:$0x1] =	vst.idx.msk $0xffff, v3  }
0x109: {  	[tilespmem:v1+s18+$0x6120 ss:$0x1] =	vst.idx.msk $0xffff, v3  }
0x10a: {  	[tilespmem:v1+s18+$0x61A0 ss:$0x1] =	vst.idx.msk $0xffff, v3  }
0x10b: {  	[tilespmem:v1+s18+$0x6220 ss:$0x1] =	vst.idx.msk $0xffff, v3  }
0x10c: {  	v4 =	vld.idx.msk [tilespmem:v0+s18+$0x330 ss:$0x1], $0xffff;
	[tilespmem:v1+s18+$0x62A0 ss:$0x1] =	vst.idx.msk $0xffff, v3  }
0x10d: {  	[tilespmem:v1+s18+$0x6320 ss:$0x1] =	vst.idx.msk $0xffff, v3  }
0x10e: {  	[tilespmem:v1+s18+$0x63A0 ss:$0x1] =	vst.idx.msk $0xffff, v3  }
0x10f: {  	[tilespmem:v1+s18+$0x7310 ss:$0x1] =	vst.idx.msk $0xffff, v2  }
0x110: {  	[tilespmem:v1+s18+$0x7390 ss:$0x1] =	vst.idx.msk $0xffff, v2  }
0x111: {  	[tilespmem:v1+s18+$0x6030 ss:$0x1] =	vst.idx.msk $0xffff, v4  }
0x112: {  	[tilespmem:v1+s18+$0x60B0 ss:$0x1] =	vst.idx.msk $0xffff, v4  }
0x113: {  	[tilespmem:v1+s18+$0x6130 ss:$0x1] =	vst.idx.msk $0xffff, v4  }
0x114: {  	v2 =	vld.idx.msk [tilespmem:v0+s18+$0x40 ss:$0x1], $0xffff;
	[tilespmem:v1+s18+$0x61B0 ss:$0x1] =	vst.idx.msk $0xffff, v4  }
0x115: {  	[tilespmem:v1+s18+$0x6230 ss:$0x1] =	vst.idx.msk $0xffff, v4  }
0x116: {  	[tilespmem:v1+s18+$0x62B0 ss:$0x1] =	vst.idx.msk $0xffff, v4  }
0x117: {  	[tilespmem:v1+s18+$0x6330 ss:$0x1] =	vst.idx.msk $0xffff, v4  }
0x118: {  	[tilespmem:v1+s18+$0x63B0 ss:$0x1] =	vst.idx.msk $0xffff, v4  }
0x119: {  	[tilespmem:v1+s18+$0x40 ss:$0x1] =	vst.idx.msk $0xffff, v2  }
0x11a: {  	[tilespmem:v1+s18+$0xC0 ss:$0x1] =	vst.idx.msk $0xffff, v2  }
0x11b: {  	[tilespmem:v1+s18+$0x140 ss:$0x1] =	vst.idx.msk $0xffff, v2  }
0x11c: {  	v3 =	vld.idx.msk [tilespmem:v0+s18+$0x3A0 ss:$0x1], $0xffff;
	[tilespmem:v1+s18+$0x1C0 ss:$0x1] =	vst.idx.msk $0xffff, v2  }
0x11d: {  	[tilespmem:v1+s18+$0x240 ss:$0x1] =	vst.idx.msk $0xffff, v2  }
0x11e: {  	[tilespmem:v1+s18+$0x2C0 ss:$0x1] =	vst.idx.msk $0xffff, v2  }
0x11f: {  	[tilespmem:v1+s18+$0x340 ss:$0x1] =	vst.idx.msk $0xffff, v2  }
0x120: {  	[tilespmem:v1+s18+$0x3C0 ss:$0x1] =	vst.idx.msk $0xffff, v2  }
0x121: {  	[tilespmem:v1+s18+$0x7020 ss:$0x1] =	vst.idx.msk $0xffff, v3  }
0x122: {  	[tilespmem:v1+s18+$0x70A0 ss:$0x1] =	vst.idx.msk $0xffff, v3  }
0x123: {  	[tilespmem:v1+s18+$0x7120 ss:$0x1] =	vst.idx.msk $0xffff, v3  }
0x124: {  	v4 =	vld.idx.msk [tilespmem:v0+s18+$0x3B0 ss:$0x1], $0xffff;
	[tilespmem:v1+s18+$0x71A0 ss:$0x1] =	vst.idx.msk $0xffff, v3  }
0x125: {  	[tilespmem:v1+s18+$0x7220 ss:$0x1] =	vst.idx.msk $0xffff, v3  }
0x126: {  	[tilespmem:v1+s18+$0x72A0 ss:$0x1] =	vst.idx.msk $0xffff, v3  }
0x127: {  	[tilespmem:v1+s18+$0x7320 ss:$0x1] =	vst.idx.msk $0xffff, v3  }
0x128: {  	[tilespmem:v1+s18+$0x73A0 ss:$0x1] =	vst.idx.msk $0xffff, v3  }
0x129: {  	[tilespmem:v1+s18+$0x7030 ss:$0x1] =	vst.idx.msk $0xffff, v4  }
0x12a: {  	[tilespmem:v1+s18+$0x70B0 ss:$0x1] =	vst.idx.msk $0xffff, v4  }
0x12b: {  	[tilespmem:v1+s18+$0x7130 ss:$0x1] =	vst.idx.msk $0xffff, v4  }
0x12c: {  	v2 =	vld.idx.msk [tilespmem:v0+s18+$0xC0 ss:$0x1], $0xffff;
	[tilespmem:v1+s18+$0x71B0 ss:$0x1] =	vst.idx.msk $0xffff, v4  }
0x12d: {  	[tilespmem:v1+s18+$0x7230 ss:$0x1] =	vst.idx.msk $0xffff, v4  }
0x12e: {  	[tilespmem:v1+s18+$0x72B0 ss:$0x1] =	vst.idx.msk $0xffff, v4  }
0x12f: {  	[tilespmem:v1+s18+$0x7330 ss:$0x1] =	vst.idx.msk $0xffff, v4  }
0x130: {  	[tilespmem:v1+s18+$0x73B0 ss:$0x1] =	vst.idx.msk $0xffff, v4  }
0x131: {  	[tilespmem:v1+s18+$0x1040 ss:$0x1] =	vst.idx.msk $0xffff, v2  }
0x132: {  	[tilespmem:v1+s18+$0x10C0 ss:$0x1] =	vst.idx.msk $0xffff, v2  }
0x133: {  	[tilespmem:v1+s18+$0x1140 ss:$0x1] =	vst.idx.msk $0xffff, v2  }
0x134: {  	v3 =	vld.idx.msk [tilespmem:v0+s18+$0x50 ss:$0x1], $0xffff;
	[tilespmem:v1+s18+$0x11C0 ss:$0x1] =	vst.idx.msk $0xffff, v2  }
0x135: {  	[tilespmem:v1+s18+$0x1240 ss:$0x1] =	vst.idx.msk $0xffff, v2  }
0x136: {  	[tilespmem:v1+s18+$0x12C0 ss:$0x1] =	vst.idx.msk $0xffff, v2  }
0x137: {  	[tilespmem:v1+s18+$0x1340 ss:$0x1] =	vst.idx.msk $0xffff, v2  }
0x138: {  	[tilespmem:v1+s18+$0x13C0 ss:$0x1] =	vst.idx.msk $0xffff, v2  }
0x139: {  	[tilespmem:v1+s18+$0x50 ss:$0x1] =	vst.idx.msk $0xffff, v3  }
0x13a: {  	[tilespmem:v1+s18+$0xD0 ss:$0x1] =	vst.idx.msk $0xffff, v3  }
0x13b: {  	[tilespmem:v1+s18+$0x150 ss:$0x1] =	vst.idx.msk $0xffff, v3  }
0x13c: {  	v4 =	vld.idx.msk [tilespmem:v0+s18+$0xE0 ss:$0x1], $0xffff;
	[tilespmem:v1+s18+$0x1D0 ss:$0x1] =	vst.idx.msk $0xffff, v3  }
0x13d: {  	[tilespmem:v1+s18+$0x250 ss:$0x1] =	vst.idx.msk $0xffff, v3  }
0x13e: {  	[tilespmem:v1+s18+$0x2D0 ss:$0x1] =	vst.idx.msk $0xffff, v3  }
0x13f: {  	[tilespmem:v1+s18+$0x350 ss:$0x1] =	vst.idx.msk $0xffff, v3  }
0x140: {  	[tilespmem:v1+s18+$0x3D0 ss:$0x1] =	vst.idx.msk $0xffff, v3  }
0x141: {  	[tilespmem:v1+s18+$0x1060 ss:$0x1] =	vst.idx.msk $0xffff, v4  }
0x142: {  	[tilespmem:v1+s18+$0x10E0 ss:$0x1] =	vst.idx.msk $0xffff, v4  }
0x143: {  	[tilespmem:v1+s18+$0x1160 ss:$0x1] =	vst.idx.msk $0xffff, v4  }
0x144: {  	[tilespmem:v1+s18+$0x11E0 ss:$0x1] =	vst.idx.msk $0xffff, v4;
	v2 =	vld.idx.msk [tilespmem:v0+s18+$0x140 ss:$0x1], $0xffff  }
0x145: {  	[tilespmem:v1+s18+$0x1260 ss:$0x1] =	vst.idx.msk $0xffff, v4  }
0x146: {  	[tilespmem:v1+s18+$0x12E0 ss:$0x1] =	vst.idx.msk $0xffff, v4  }
0x147: {  	[tilespmem:v1+s18+$0x1360 ss:$0x1] =	vst.idx.msk $0xffff, v4  }
0x148: {  	[tilespmem:v1+s18+$0x13E0 ss:$0x1] =	vst.idx.msk $0xffff, v4  }
0x149: {  	[tilespmem:v1+s18+$0x2040 ss:$0x1] =	vst.idx.msk $0xffff, v2  }
0x14a: {  	[tilespmem:v1+s18+$0x20C0 ss:$0x1] =	vst.idx.msk $0xffff, v2  }
0x14b: {  	[tilespmem:v1+s18+$0x2140 ss:$0x1] =	vst.idx.msk $0xffff, v2  }
0x14c: {  	v3 =	vld.idx.msk [tilespmem:v0+s18+$0xD0 ss:$0x1], $0xffff;
	[tilespmem:v1+s18+$0x21C0 ss:$0x1] =	vst.idx.msk $0xffff, v2  }
0x14d: {  	[tilespmem:v1+s18+$0x2240 ss:$0x1] =	vst.idx.msk $0xffff, v2  }
0x14e: {  	[tilespmem:v1+s18+$0x22C0 ss:$0x1] =	vst.idx.msk $0xffff, v2  }
0x14f: {  	[tilespmem:v1+s18+$0x2340 ss:$0x1] =	vst.idx.msk $0xffff, v2  }
0x150: {  	[tilespmem:v1+s18+$0x23C0 ss:$0x1] =	vst.idx.msk $0xffff, v2  }
0x151: {  	[tilespmem:v1+s18+$0x1050 ss:$0x1] =	vst.idx.msk $0xffff, v3  }
0x152: {  	[tilespmem:v1+s18+$0x10D0 ss:$0x1] =	vst.idx.msk $0xffff, v3  }
0x153: {  	[tilespmem:v1+s18+$0x1150 ss:$0x1] =	vst.idx.msk $0xffff, v3  }
0x154: {  	v4 =	vld.idx.msk [tilespmem:v0+s18+$0x160 ss:$0x1], $0xffff;
	[tilespmem:v1+s18+$0x11D0 ss:$0x1] =	vst.idx.msk $0xffff, v3  }
0x155: {  	[tilespmem:v1+s18+$0x1250 ss:$0x1] =	vst.idx.msk $0xffff, v3  }
0x156: {  	[tilespmem:v1+s18+$0x12D0 ss:$0x1] =	vst.idx.msk $0xffff, v3  }
0x157: {  	[tilespmem:v1+s18+$0x1350 ss:$0x1] =	vst.idx.msk $0xffff, v3  }
0x158: {  	[tilespmem:v1+s18+$0x13D0 ss:$0x1] =	vst.idx.msk $0xffff, v3  }
0x159: {  	[tilespmem:v1+s18+$0x2060 ss:$0x1] =	vst.idx.msk $0xffff, v4  }
0x15a: {  	[tilespmem:v1+s18+$0x20E0 ss:$0x1] =	vst.idx.msk $0xffff, v4  }
0x15b: {  	[tilespmem:v1+s18+$0x2160 ss:$0x1] =	vst.idx.msk $0xffff, v4  }
0x15c: {  	[tilespmem:v1+s18+$0x21E0 ss:$0x1] =	vst.idx.msk $0xffff, v4;
	v2 =	vld.idx.msk [tilespmem:v0+s18+$0x1C0 ss:$0x1], $0xffff  }
0x15d: {  	[tilespmem:v1+s18+$0x2260 ss:$0x1] =	vst.idx.msk $0xffff, v4  }
0x15e: {  	[tilespmem:v1+s18+$0x22E0 ss:$0x1] =	vst.idx.msk $0xffff, v4  }
0x15f: {  	[tilespmem:v1+s18+$0x2360 ss:$0x1] =	vst.idx.msk $0xffff, v4  }
0x160: {  	[tilespmem:v1+s18+$0x23E0 ss:$0x1] =	vst.idx.msk $0xffff, v4  }
0x161: {  	[tilespmem:v1+s18+$0x3040 ss:$0x1] =	vst.idx.msk $0xffff, v2  }
0x162: {  	[tilespmem:v1+s18+$0x30C0 ss:$0x1] =	vst.idx.msk $0xffff, v2  }
0x163: {  	[tilespmem:v1+s18+$0x3140 ss:$0x1] =	vst.idx.msk $0xffff, v2  }
0x164: {  	v3 =	vld.idx.msk [tilespmem:v0+s18+$0x150 ss:$0x1], $0xffff;
	[tilespmem:v1+s18+$0x31C0 ss:$0x1] =	vst.idx.msk $0xffff, v2  }
0x165: {  	[tilespmem:v1+s18+$0x3240 ss:$0x1] =	vst.idx.msk $0xffff, v2  }
0x166: {  	[tilespmem:v1+s18+$0x32C0 ss:$0x1] =	vst.idx.msk $0xffff, v2  }
0x167: {  	[tilespmem:v1+s18+$0x3340 ss:$0x1] =	vst.idx.msk $0xffff, v2  }
0x168: {  	[tilespmem:v1+s18+$0x33C0 ss:$0x1] =	vst.idx.msk $0xffff, v2  }
0x169: {  	[tilespmem:v1+s18+$0x2050 ss:$0x1] =	vst.idx.msk $0xffff, v3  }
0x16a: {  	[tilespmem:v1+s18+$0x20D0 ss:$0x1] =	vst.idx.msk $0xffff, v3  }
0x16b: {  	[tilespmem:v1+s18+$0x2150 ss:$0x1] =	vst.idx.msk $0xffff, v3  }
0x16c: {  	v4 =	vld.idx.msk [tilespmem:v0+s18+$0x1E0 ss:$0x1], $0xffff;
	[tilespmem:v1+s18+$0x21D0 ss:$0x1] =	vst.idx.msk $0xffff, v3  }
0x16d: {  	[tilespmem:v1+s18+$0x2250 ss:$0x1] =	vst.idx.msk $0xffff, v3  }
0x16e: {  	[tilespmem:v1+s18+$0x22D0 ss:$0x1] =	vst.idx.msk $0xffff, v3  }
0x16f: {  	[tilespmem:v1+s18+$0x2350 ss:$0x1] =	vst.idx.msk $0xffff, v3  }
0x170: {  	[tilespmem:v1+s18+$0x23D0 ss:$0x1] =	vst.idx.msk $0xffff, v3  }
0x171: {  	[tilespmem:v1+s18+$0x3060 ss:$0x1] =	vst.idx.msk $0xffff, v4  }
0x172: {  	[tilespmem:v1+s18+$0x30E0 ss:$0x1] =	vst.idx.msk $0xffff, v4  }
0x173: {  	[tilespmem:v1+s18+$0x3160 ss:$0x1] =	vst.idx.msk $0xffff, v4  }
0x174: {  	[tilespmem:v1+s18+$0x31E0 ss:$0x1] =	vst.idx.msk $0xffff, v4;
	v2 =	vld.idx.msk [tilespmem:v0+s18+$0x240 ss:$0x1], $0xffff  }
0x175: {  	[tilespmem:v1+s18+$0x3260 ss:$0x1] =	vst.idx.msk $0xffff, v4  }
0x176: {  	[tilespmem:v1+s18+$0x32E0 ss:$0x1] =	vst.idx.msk $0xffff, v4  }
0x177: {  	[tilespmem:v1+s18+$0x3360 ss:$0x1] =	vst.idx.msk $0xffff, v4  }
0x178: {  	[tilespmem:v1+s18+$0x33E0 ss:$0x1] =	vst.idx.msk $0xffff, v4  }
0x179: {  	[tilespmem:v1+s18+$0x4040 ss:$0x1] =	vst.idx.msk $0xffff, v2  }
0x17a: {  	[tilespmem:v1+s18+$0x40C0 ss:$0x1] =	vst.idx.msk $0xffff, v2  }
0x17b: {  	[tilespmem:v1+s18+$0x4140 ss:$0x1] =	vst.idx.msk $0xffff, v2  }
0x17c: {  	v3 =	vld.idx.msk [tilespmem:v0+s18+$0x1D0 ss:$0x1], $0xffff;
	[tilespmem:v1+s18+$0x41C0 ss:$0x1] =	vst.idx.msk $0xffff, v2  }
0x17d: {  	[tilespmem:v1+s18+$0x4240 ss:$0x1] =	vst.idx.msk $0xffff, v2  }
0x17e: {  	[tilespmem:v1+s18+$0x42C0 ss:$0x1] =	vst.idx.msk $0xffff, v2  }
0x17f: {  	[tilespmem:v1+s18+$0x4340 ss:$0x1] =	vst.idx.msk $0xffff, v2  }
0x180: {  	[tilespmem:v1+s18+$0x43C0 ss:$0x1] =	vst.idx.msk $0xffff, v2  }
0x181: {  	[tilespmem:v1+s18+$0x3050 ss:$0x1] =	vst.idx.msk $0xffff, v3  }
0x182: {  	[tilespmem:v1+s18+$0x30D0 ss:$0x1] =	vst.idx.msk $0xffff, v3  }
0x183: {  	[tilespmem:v1+s18+$0x3150 ss:$0x1] =	vst.idx.msk $0xffff, v3  }
0x184: {  	v4 =	vld.idx.msk [tilespmem:v0+s18+$0x260 ss:$0x1], $0xffff;
	[tilespmem:v1+s18+$0x31D0 ss:$0x1] =	vst.idx.msk $0xffff, v3  }
0x185: {  	[tilespmem:v1+s18+$0x3250 ss:$0x1] =	vst.idx.msk $0xffff, v3  }
0x186: {  	[tilespmem:v1+s18+$0x32D0 ss:$0x1] =	vst.idx.msk $0xffff, v3  }
0x187: {  	[tilespmem:v1+s18+$0x3350 ss:$0x1] =	vst.idx.msk $0xffff, v3  }
0x188: {  	[tilespmem:v1+s18+$0x33D0 ss:$0x1] =	vst.idx.msk $0xffff, v3  }
0x189: {  	[tilespmem:v1+s18+$0x4060 ss:$0x1] =	vst.idx.msk $0xffff, v4  }
0x18a: {  	[tilespmem:v1+s18+$0x40E0 ss:$0x1] =	vst.idx.msk $0xffff, v4  }
0x18b: {  	[tilespmem:v1+s18+$0x4160 ss:$0x1] =	vst.idx.msk $0xffff, v4  }
0x18c: {  	[tilespmem:v1+s18+$0x41E0 ss:$0x1] =	vst.idx.msk $0xffff, v4;
	v2 =	vld.idx.msk [tilespmem:v0+s18+$0x2C0 ss:$0x1], $0xffff  }
0x18d: {  	[tilespmem:v1+s18+$0x4260 ss:$0x1] =	vst.idx.msk $0xffff, v4  }
0x18e: {  	[tilespmem:v1+s18+$0x42E0 ss:$0x1] =	vst.idx.msk $0xffff, v4  }
0x18f: {  	[tilespmem:v1+s18+$0x4360 ss:$0x1] =	vst.idx.msk $0xffff, v4  }
0x190: {  	[tilespmem:v1+s18+$0x43E0 ss:$0x1] =	vst.idx.msk $0xffff, v4  }
0x191: {  	[tilespmem:v1+s18+$0x5040 ss:$0x1] =	vst.idx.msk $0xffff, v2  }
0x192: {  	[tilespmem:v1+s18+$0x50C0 ss:$0x1] =	vst.idx.msk $0xffff, v2  }
0x193: {  	[tilespmem:v1+s18+$0x5140 ss:$0x1] =	vst.idx.msk $0xffff, v2  }
0x194: {  	v3 =	vld.idx.msk [tilespmem:v0+s18+$0x250 ss:$0x1], $0xffff;
	[tilespmem:v1+s18+$0x51C0 ss:$0x1] =	vst.idx.msk $0xffff, v2  }
0x195: {  	[tilespmem:v1+s18+$0x5240 ss:$0x1] =	vst.idx.msk $0xffff, v2  }
0x196: {  	[tilespmem:v1+s18+$0x52C0 ss:$0x1] =	vst.idx.msk $0xffff, v2  }
0x197: {  	[tilespmem:v1+s18+$0x5340 ss:$0x1] =	vst.idx.msk $0xffff, v2  }
0x198: {  	[tilespmem:v1+s18+$0x53C0 ss:$0x1] =	vst.idx.msk $0xffff, v2  }
0x199: {  	[tilespmem:v1+s18+$0x4050 ss:$0x1] =	vst.idx.msk $0xffff, v3  }
0x19a: {  	[tilespmem:v1+s18+$0x40D0 ss:$0x1] =	vst.idx.msk $0xffff, v3  }
0x19b: {  	[tilespmem:v1+s18+$0x4150 ss:$0x1] =	vst.idx.msk $0xffff, v3  }
0x19c: {  	v4 =	vld.idx.msk [tilespmem:v0+s18+$0x2E0 ss:$0x1], $0xffff;
	[tilespmem:v1+s18+$0x41D0 ss:$0x1] =	vst.idx.msk $0xffff, v3  }
0x19d: {  	[tilespmem:v1+s18+$0x4250 ss:$0x1] =	vst.idx.msk $0xffff, v3  }
0x19e: {  	[tilespmem:v1+s18+$0x42D0 ss:$0x1] =	vst.idx.msk $0xffff, v3  }
0x19f: {  	[tilespmem:v1+s18+$0x4350 ss:$0x1] =	vst.idx.msk $0xffff, v3  }
0x1a0: {  	[tilespmem:v1+s18+$0x43D0 ss:$0x1] =	vst.idx.msk $0xffff, v3;
	v2 =	vld.idx.msk [tilespmem:v0+s18+$0x340 ss:$0x1], $0xffff  }
0x1a1: {  	[tilespmem:v1+s18+$0x5060 ss:$0x1] =	vst.idx.msk $0xffff, v4  }
0x1a2: {  	[tilespmem:v1+s18+$0x50E0 ss:$0x1] =	vst.idx.msk $0xffff, v4  }
0x1a3: {  	[tilespmem:v1+s18+$0x5160 ss:$0x1] =	vst.idx.msk $0xffff, v4  }
0x1a4: {  	[tilespmem:v1+s18+$0x51E0 ss:$0x1] =	vst.idx.msk $0xffff, v4  }
0x1a5: {  	[tilespmem:v1+s18+$0x6040 ss:$0x1] =	vst.idx.msk $0xffff, v2  }
0x1a6: {  	[tilespmem:v1+s18+$0x60C0 ss:$0x1] =	vst.idx.msk $0xffff, v2  }
0x1a7: {  	[tilespmem:v1+s18+$0x6140 ss:$0x1] =	vst.idx.msk $0xffff, v2  }
0x1a8: {  	[tilespmem:v1+s18+$0x61C0 ss:$0x1] =	vst.idx.msk $0xffff, v2  }
0x1a9: {  	[tilespmem:v1+s18+$0x6240 ss:$0x1] =	vst.idx.msk $0xffff, v2  }
0x1aa: {  	[tilespmem:v1+s18+$0x62C0 ss:$0x1] =	vst.idx.msk $0xffff, v2  }
0x1ab: {  	[tilespmem:v1+s18+$0x6340 ss:$0x1] =	vst.idx.msk $0xffff, v2  }
0x1ac: {  	v3 =	vld.idx.msk [tilespmem:v0+s18+$0x2D0 ss:$0x1], $0xffff;
	[tilespmem:v1+s18+$0x63C0 ss:$0x1] =	vst.idx.msk $0xffff, v2  }
0x1ad: {  	[tilespmem:v1+s18+$0x5260 ss:$0x1] =	vst.idx.msk $0xffff, v4;
	v2 =	vld.idx.msk [tilespmem:v0+s18+$0x3C0 ss:$0x1], $0xffff  }
0x1ae: {  	[tilespmem:v1+s18+$0x52E0 ss:$0x1] =	vst.idx.msk $0xffff, v4  }
0x1af: {  	[tilespmem:v1+s18+$0x5360 ss:$0x1] =	vst.idx.msk $0xffff, v4  }
0x1b0: {  	[tilespmem:v1+s18+$0x53E0 ss:$0x1] =	vst.idx.msk $0xffff, v4  }
0x1b1: {  	[tilespmem:v1+s18+$0x5050 ss:$0x1] =	vst.idx.msk $0xffff, v3  }
0x1b2: {  	[tilespmem:v1+s18+$0x7040 ss:$0x1] =	vst.idx.msk $0xffff, v2  }
0x1b3: {  	[tilespmem:v1+s18+$0x70C0 ss:$0x1] =	vst.idx.msk $0xffff, v2  }
0x1b4: {  	[tilespmem:v1+s18+$0x7140 ss:$0x1] =	vst.idx.msk $0xffff, v2  }
0x1b5: {  	[tilespmem:v1+s18+$0x71C0 ss:$0x1] =	vst.idx.msk $0xffff, v2  }
0x1b6: {  	[tilespmem:v1+s18+$0x7240 ss:$0x1] =	vst.idx.msk $0xffff, v2  }
0x1b7: {  	[tilespmem:v1+s18+$0x72C0 ss:$0x1] =	vst.idx.msk $0xffff, v2  }
0x1b8: {  	[tilespmem:v1+s18+$0x7340 ss:$0x1] =	vst.idx.msk $0xffff, v2  }
0x1b9: {  	[tilespmem:v1+s18+$0x73C0 ss:$0x1] =	vst.idx.msk $0xffff, v2;
	v2 =	vld.idx.msk [tilespmem:v0+s18+$0x70 ss:$0x1], $0xffff  }
0x1ba: {  	[tilespmem:v1+s18+$0x50D0 ss:$0x1] =	vst.idx.msk $0xffff, v3  }
0x1bb: {  	[tilespmem:v1+s18+$0x5150 ss:$0x1] =	vst.idx.msk $0xffff, v3  }
0x1bc: {  	[tilespmem:v1+s18+$0x51D0 ss:$0x1] =	vst.idx.msk $0xffff, v3  }
0x1bd: {  	[tilespmem:v1+s18+$0x5250 ss:$0x1] =	vst.idx.msk $0xffff, v3  }
0x1be: {  	[tilespmem:v1+s18+$0x70 ss:$0x1] =	vst.idx.msk $0xffff, v2  }
0x1bf: {  	[tilespmem:v1+s18+$0xF0 ss:$0x1] =	vst.idx.msk $0xffff, v2  }
0x1c0: {  	[tilespmem:v1+s18+$0x170 ss:$0x1] =	vst.idx.msk $0xffff, v2  }
0x1c1: {  	[tilespmem:v1+s18+$0x1F0 ss:$0x1] =	vst.idx.msk $0xffff, v2  }
0x1c2: {  	[tilespmem:v1+s18+$0x270 ss:$0x1] =	vst.idx.msk $0xffff, v2  }
0x1c3: {  	[tilespmem:v1+s18+$0x2F0 ss:$0x1] =	vst.idx.msk $0xffff, v2  }
0x1c4: {  	v4 =	vld.idx.msk [tilespmem:v0+s18+$0x360 ss:$0x1], $0xffff;
	[tilespmem:v1+s18+$0x370 ss:$0x1] =	vst.idx.msk $0xffff, v2  }
0x1c5: {  	[tilespmem:v1+s18+$0x3F0 ss:$0x1] =	vst.idx.msk $0xffff, v2  }
0x1c6: {  	[tilespmem:v1+s18+$0x52D0 ss:$0x1] =	vst.idx.msk $0xffff, v3;
	v2 =	vld.idx.msk [tilespmem:v0+s18+$0xF0 ss:$0x1], $0xffff  }
0x1c7: {  	[tilespmem:v1+s18+$0x5350 ss:$0x1] =	vst.idx.msk $0xffff, v3  }
0x1c8: {  	[tilespmem:v1+s18+$0x53D0 ss:$0x1] =	vst.idx.msk $0xffff, v3  }
0x1c9: {  	[tilespmem:v1+s18+$0x6060 ss:$0x1] =	vst.idx.msk $0xffff, v4  }
0x1ca: {  	[tilespmem:v1+s18+$0x60E0 ss:$0x1] =	vst.idx.msk $0xffff, v4  }
0x1cb: {  	[tilespmem:v1+s18+$0x1070 ss:$0x1] =	vst.idx.msk $0xffff, v2  }
0x1cc: {  	[tilespmem:v1+s18+$0x10F0 ss:$0x1] =	vst.idx.msk $0xffff, v2  }
0x1cd: {  	[tilespmem:v1+s18+$0x1170 ss:$0x1] =	vst.idx.msk $0xffff, v2  }
0x1ce: {  	[tilespmem:v1+s18+$0x11F0 ss:$0x1] =	vst.idx.msk $0xffff, v2  }
0x1cf: {  	[tilespmem:v1+s18+$0x1270 ss:$0x1] =	vst.idx.msk $0xffff, v2  }
0x1d0: {  	[tilespmem:v1+s18+$0x12F0 ss:$0x1] =	vst.idx.msk $0xffff, v2  }
0x1d1: {  	[tilespmem:v1+s18+$0x1370 ss:$0x1] =	vst.idx.msk $0xffff, v2  }
0x1d2: {  	[tilespmem:v1+s18+$0x13F0 ss:$0x1] =	vst.idx.msk $0xffff, v2  }
0x1d3: {  	[tilespmem:v1+s18+$0x6160 ss:$0x1] =	vst.idx.msk $0xffff, v4;
	v2 =	vld.idx.msk [tilespmem:v0+s18+$0x170 ss:$0x1], $0xffff  }
0x1d4: {  	[tilespmem:v1+s18+$0x61E0 ss:$0x1] =	vst.idx.msk $0xffff, v4  }
0x1d5: {  	[tilespmem:v1+s18+$0x6260 ss:$0x1] =	vst.idx.msk $0xffff, v4  }
0x1d6: {  	[tilespmem:v1+s18+$0x62E0 ss:$0x1] =	vst.idx.msk $0xffff, v4  }
0x1d7: {  	[tilespmem:v1+s18+$0x6360 ss:$0x1] =	vst.idx.msk $0xffff, v4  }
0x1d8: {  	[tilespmem:v1+s18+$0x2070 ss:$0x1] =	vst.idx.msk $0xffff, v2  }
0x1d9: {  	[tilespmem:v1+s18+$0x20F0 ss:$0x1] =	vst.idx.msk $0xffff, v2  }
0x1da: {  	[tilespmem:v1+s18+$0x2170 ss:$0x1] =	vst.idx.msk $0xffff, v2  }
0x1db: {  	[tilespmem:v1+s18+$0x21F0 ss:$0x1] =	vst.idx.msk $0xffff, v2  }
0x1dc: {  	v3 =	vld.idx.msk [tilespmem:v0+s18+$0x350 ss:$0x1], $0xffff;
	[tilespmem:v1+s18+$0x2270 ss:$0x1] =	vst.idx.msk $0xffff, v2  }
0x1dd: {  	[tilespmem:v1+s18+$0x22F0 ss:$0x1] =	vst.idx.msk $0xffff, v2  }
0x1de: {  	[tilespmem:v1+s18+$0x2370 ss:$0x1] =	vst.idx.msk $0xffff, v2  }
0x1df: {  	[tilespmem:v1+s18+$0x23F0 ss:$0x1] =	vst.idx.msk $0xffff, v2  }
0x1e0: {  	[tilespmem:v1+s18+$0x63E0 ss:$0x1] =	vst.idx.msk $0xffff, v4;
	v2 =	vld.idx.msk [tilespmem:v0+s18+$0x1F0 ss:$0x1], $0xffff  }
0x1e1: {  	[tilespmem:v1+s18+$0x6050 ss:$0x1] =	vst.idx.msk $0xffff, v3  }
0x1e2: {  	[tilespmem:v1+s18+$0x60D0 ss:$0x1] =	vst.idx.msk $0xffff, v3  }
0x1e3: {  	[tilespmem:v1+s18+$0x6150 ss:$0x1] =	vst.idx.msk $0xffff, v3  }
0x1e4: {  	[tilespmem:v1+s18+$0x61D0 ss:$0x1] =	vst.idx.msk $0xffff, v3  }
0x1e5: {  	[tilespmem:v1+s18+$0x3070 ss:$0x1] =	vst.idx.msk $0xffff, v2  }
0x1e6: {  	[tilespmem:v1+s18+$0x30F0 ss:$0x1] =	vst.idx.msk $0xffff, v2  }
0x1e7: {  	[tilespmem:v1+s18+$0x3170 ss:$0x1] =	vst.idx.msk $0xffff, v2  }
0x1e8: {  	[tilespmem:v1+s18+$0x31F0 ss:$0x1] =	vst.idx.msk $0xffff, v2  }
0x1e9: {  	[tilespmem:v1+s18+$0x3270 ss:$0x1] =	vst.idx.msk $0xffff, v2  }
0x1ea: {  	[tilespmem:v1+s18+$0x32F0 ss:$0x1] =	vst.idx.msk $0xffff, v2  }
0x1eb: {  	[tilespmem:v1+s18+$0x3370 ss:$0x1] =	vst.idx.msk $0xffff, v2  }
0x1ec: {  	v4 =	vld.idx.msk [tilespmem:v0+s18+$0x3E0 ss:$0x1], $0xffff;
	[tilespmem:v1+s18+$0x33F0 ss:$0x1] =	vst.idx.msk $0xffff, v2  }
0x1ed: {  	[tilespmem:v1+s18+$0x6250 ss:$0x1] =	vst.idx.msk $0xffff, v3;
	v2 =	vld.idx.msk [tilespmem:v0+s18+$0x270 ss:$0x1], $0xffff  }
0x1ee: {  	[tilespmem:v1+s18+$0x62D0 ss:$0x1] =	vst.idx.msk $0xffff, v3  }
0x1ef: {  	[tilespmem:v1+s18+$0x6350 ss:$0x1] =	vst.idx.msk $0xffff, v3  }
0x1f0: {  	[tilespmem:v1+s18+$0x63D0 ss:$0x1] =	vst.idx.msk $0xffff, v3  }
0x1f1: {  	[tilespmem:v1+s18+$0x7060 ss:$0x1] =	vst.idx.msk $0xffff, v4  }
0x1f2: {  	[tilespmem:v1+s18+$0x4070 ss:$0x1] =	vst.idx.msk $0xffff, v2  }
0x1f3: {  	[tilespmem:v1+s18+$0x40F0 ss:$0x1] =	vst.idx.msk $0xffff, v2  }
0x1f4: {  	[tilespmem:v1+s18+$0x4170 ss:$0x1] =	vst.idx.msk $0xffff, v2  }
0x1f5: {  	[tilespmem:v1+s18+$0x41F0 ss:$0x1] =	vst.idx.msk $0xffff, v2  }
0x1f6: {  	[tilespmem:v1+s18+$0x4270 ss:$0x1] =	vst.idx.msk $0xffff, v2  }
0x1f7: {  	[tilespmem:v1+s18+$0x42F0 ss:$0x1] =	vst.idx.msk $0xffff, v2  }
0x1f8: {  	[tilespmem:v1+s18+$0x4370 ss:$0x1] =	vst.idx.msk $0xffff, v2  }
0x1f9: {  	[tilespmem:v1+s18+$0x43F0 ss:$0x1] =	vst.idx.msk $0xffff, v2  }
0x1fa: {  	[tilespmem:v1+s18+$0x70E0 ss:$0x1] =	vst.idx.msk $0xffff, v4;
	v2 =	vld.idx.msk [tilespmem:v0+s18+$0x2F0 ss:$0x1], $0xffff  }
0x1fb: {  	[tilespmem:v1+s18+$0x7160 ss:$0x1] =	vst.idx.msk $0xffff, v4  }
0x1fc: {  	[tilespmem:v1+s18+$0x71E0 ss:$0x1] =	vst.idx.msk $0xffff, v4  }
0x1fd: {  	[tilespmem:v1+s18+$0x7260 ss:$0x1] =	vst.idx.msk $0xffff, v4  }
0x1fe: {  	[tilespmem:v1+s18+$0x72E0 ss:$0x1] =	vst.idx.msk $0xffff, v4  }
0x1ff: {  	[tilespmem:v1+s18+$0x5070 ss:$0x1] =	vst.idx.msk $0xffff, v2  }
0x200: {  	[tilespmem:v1+s18+$0x50F0 ss:$0x1] =	vst.idx.msk $0xffff, v2  }
0x201: {  	[tilespmem:v1+s18+$0x5170 ss:$0x1] =	vst.idx.msk $0xffff, v2  }
0x202: {  	[tilespmem:v1+s18+$0x51F0 ss:$0x1] =	vst.idx.msk $0xffff, v2  }
0x203: {  	[tilespmem:v1+s18+$0x5270 ss:$0x1] =	vst.idx.msk $0xffff, v2  }
0x204: {  	v3 =	vld.idx.msk [tilespmem:v0+s18+$0x3D0 ss:$0x1], $0xffff;
	[tilespmem:v1+s18+$0x52F0 ss:$0x1] =	vst.idx.msk $0xffff, v2  }
0x205: {  	[tilespmem:v1+s18+$0x5370 ss:$0x1] =	vst.idx.msk $0xffff, v2  }
0x206: {  	[tilespmem:v1+s18+$0x53F0 ss:$0x1] =	vst.idx.msk $0xffff, v2  }
0x207: {  	[tilespmem:v1+s18+$0x7360 ss:$0x1] =	vst.idx.msk $0xffff, v4;
	v2 =	vld.idx.msk [tilespmem:v0+s18+$0x370 ss:$0x1], $0xffff  }
0x208: {  	[tilespmem:v1+s18+$0x73E0 ss:$0x1] =	vst.idx.msk $0xffff, v4  }
0x209: {  	[tilespmem:v1+s18+$0x7050 ss:$0x1] =	vst.idx.msk $0xffff, v3  }
0x20a: {  	[tilespmem:v1+s18+$0x70D0 ss:$0x1] =	vst.idx.msk $0xffff, v3  }
0x20b: {  	[tilespmem:v1+s18+$0x7150 ss:$0x1] =	vst.idx.msk $0xffff, v3  }
0x20c: {  	[tilespmem:v1+s18+$0x6070 ss:$0x1] =	vst.idx.msk $0xffff, v2  }
0x20d: {  	[tilespmem:v1+s18+$0x60F0 ss:$0x1] =	vst.idx.msk $0xffff, v2  }
0x20e: {  	[tilespmem:v1+s18+$0x6170 ss:$0x1] =	vst.idx.msk $0xffff, v2  }
0x20f: {  	[tilespmem:v1+s18+$0x61F0 ss:$0x1] =	vst.idx.msk $0xffff, v2  }
0x210: {  	[tilespmem:v1+s18+$0x6270 ss:$0x1] =	vst.idx.msk $0xffff, v2  }
0x211: {  	[tilespmem:v1+s18+$0x62F0 ss:$0x1] =	vst.idx.msk $0xffff, v2  }
0x212: {  	[tilespmem:v1+s18+$0x6370 ss:$0x1] =	vst.idx.msk $0xffff, v2  }
0x213: {  	[tilespmem:v1+s18+$0x63F0 ss:$0x1] =	vst.idx.msk $0xffff, v2  }
0x214: {  	[tilespmem:v1+s18+$0x71D0 ss:$0x1] =	vst.idx.msk $0xffff, v3;
	v2 =	vld.idx.msk [tilespmem:v0+s18+$0x3F0 ss:$0x1], $0xffff  }
0x215: {  	[tilespmem:v1+s18+$0x7250 ss:$0x1] =	vst.idx.msk $0xffff, v3  }
0x216: {  	[tilespmem:v1+s18+$0x72D0 ss:$0x1] =	vst.idx.msk $0xffff, v3  }
0x217: {  	[tilespmem:v1+s18+$0x7350 ss:$0x1] =	vst.idx.msk $0xffff, v3  }
0x218: {  	[tilespmem:v1+s18+$0x73D0 ss:$0x1] =	vst.idx.msk $0xffff, v3  }
0x219: {  	[tilespmem:v1+s18+$0x7070 ss:$0x1] =	vst.idx.msk $0xffff, v2  }
0x21a: {  	[tilespmem:v1+s18+$0x70F0 ss:$0x1] =	vst.idx.msk $0xffff, v2  }
0x21b: {  	p0 =	slt.u32 s17, $0x18;
	[tilespmem:v1+s18+$0x7170 ss:$0x1] =	vst.idx.msk $0xffff, v2  }
.Ltmp0:
0x21c: {  	[tilespmem:v1+s18+$0x71F0 ss:$0x1] =	vst.idx.msk $0xffff, v2;
	(pc) =	sbr.rel @p0 .LBB2_3-.Ltmp0, $4  }
0x21d: {  	[tilespmem:v1+s18+$0x7270 ss:$0x1] =	vst.idx.msk $0xffff, v2  }
0x21e: {  	[tilespmem:v1+s18+$0x72F0 ss:$0x1] =	vst.idx.msk $0xffff, v2  }
0x21f: {  	[tilespmem:v1+s18+$0x7370 ss:$0x1] =	vst.idx.msk $0xffff, v2  }
0x220: {  	s17 =	sadd.s32 $0x8, s17;
	[tilespmem:v1+s18+$0x73F0 ss:$0x1] =	vst.idx.msk $0xffff, v2  }
0x221: {  	s14 =	sshll.u32 s14, $0x14;
	p0 =	sne.s32 s13, $0x19  }
.Ltmp1:
0x222: {  	s14 =	sor.u32 s5, s14;
	(pc) =	sbr.rel @p0 .LBB2_2-.Ltmp1, $4  }
0x223: {  	s14 =	sshrl.u32 s14, $0x3  }
0x224: {  	s15 =	sadd.s32 $0x3, s15;
	s14 =	sadd.s32 s3, s14  }
0x225: {  	[hbm4b:s14+s8] =	stream.strided.scatter [tilespmem:s16], [sflag:s15], $0x8000, s9, s8, $0x38;
	[tilespmem:$0x12000] =	vst v63  }
0x226: {  	s14 =	smov.u32 s13  }
0x227: {  	s12 =	sadd.s32 $0x1, s12  }
0x228: {  	_ =	swait.ge [sflag:s10], $0x8000;
	p0 =	sne.s32 s12, s7  }
.Ltmp2:
0x229: {  	[sflag:s10] =	ssyncset.done $0x0;
	(pc) =	sbr.rel @p0 .LBB2_1-.Ltmp2, $4  }
0x22a: {  	[sflag:s10] =	ssyncadd.s32 $0xFFFF8000  }
0x22b: {  	_ =	swait.ge [sflag:s11], $0x8000  }
0x22c: {  	[sflag:s11] =	ssyncset.done $0x0  }
0x22d: {  	[sflag:s11] =	ssyncadd.s32 $0xFFFF8000  }
0x22e: {  	_ =	sfence.sel $0x180000  }
0x22f: {  	[bflag:$0x0] =	sbarrier.arrive $0xFFFF  }
0x230: {  	p0 =	sne.s32 s1, $0x0;
	_ =	strace $0x90000047  }
0x231: {  	s0 =	sadd.s32 @!p0 $0x100000, s0;
	[bflag:$0x2] =	sbarrier.arrive $0xFFFF  }
0x232: {  	[sflag:s0] =	ssyncadd.tile.s32 @!p0 $0x1;
	_ =	shalt  }
.Lfunc_end2:
_tile_overlayer_lowered:
.L_overlay_start_2:
0x233: {  	(tag) =	ssettag $0x2  }
0x234: {  	s0 =	rddreg [dreg:$0x0];
	s2 =	stileid.u32  }
0x235: {  	s1 =	rddreg [dreg:$0x1];
	p0 =	sne.s32 s2, $0x0  }
0x236: {  	s3 =	rddreg [dreg:$0x2];
	[bflag:$0x3] =	sbarrier.arrive $0xFFFF;
	s2 =	simm.s32 @!p0 $0x1C05  }
0x237: {  	[timem:s3], [sflag:s2] =	dma.local @!p0 [hbm:s0], s1  }
0x238: {  	s0 =	simm.s32 @!p0 $0x5  }
0x239: {  	_ =	swait.ge @!p0 [sflag:s0], s1  }
0x23a: {  	s1 =	ssub.s32 @!p0 $0x0, s1;
	[sflag:s0] =	ssyncset.done @!p0 $0x0  }
0x23b: {  	[sflag:s0] =	ssyncadd.s32 @!p0 s1  }
0x23c: {  	[bflag:$0x3] =	sbarrier.arrive $0xFFFF  }
0x23d: {  	_ =	shalt  }

</sc_bundles>
